<compile_context>
chip_gen: v7x
topology: tpu7x:2x2x1
jax: 0.10.2.dev20260603
libtpu: 0.0.44.dev20260713+nightly
codegen_flags: <defaults>
</compile_context>

<pallas_src>
import functools

import jax
import jax.numpy as jnp
from jax import lax
from jax.experimental import pallas as pl
from jax.experimental.pallas import tpu as pltpu
from jax.experimental.pallas import tpu_sc as plsc

NC = 2
NS = 16
NW = NC * NS

CH = 32
NBUF = 3


@jax.jit
def kernel(x, table):
    B, S = x.shape
    V, D = table.shape
    N = B * S
    assert N % NW == 0
    b_per_w = N // NW
    assert b_per_w % CH == 0
    n_ch = b_per_w // CH
    assert n_ch >= 2 * NBUF

    mesh = plsc.VectorSubcoreMesh(core_axis_name="c", subcore_axis_name="s")

    @functools.partial(
        pl.kernel,
        mesh=mesh,
        out_type=jax.ShapeDtypeStruct((N, D), jnp.float32),
        scratch_types=[
            pltpu.VMEM((n_ch, CH), jnp.int32),
            pltpu.VMEM((NBUF, CH, D), jnp.float32),
            pltpu.SemaphoreType.DMA,
            pltpu.SemaphoreType.DMA,
        ],
    )
    def gather_k(idx_hbm, table_hbm, out_hbm, idx_v, rows_v, gsem, ssem):
        wid = lax.axis_index("s") * NC + lax.axis_index("c")
        base = wid * b_per_w
        pltpu.sync_copy(idx_hbm.at[wid], idx_v)

        def start_gather(j, b):
            pltpu.async_copy(table_hbm.at[idx_v.at[j]], rows_v.at[b], gsem)

        def wait_gather(b):
            pltpu.make_async_copy(
                table_hbm.at[idx_v.at[0]], rows_v.at[b], gsem
            ).wait()

        def start_scatter(j, b):
            pltpu.async_copy(
                rows_v.at[b], out_hbm.at[pl.ds(base + j * CH, CH)], ssem
            )

        def wait_scatter(b):
            pltpu.make_async_copy(
                rows_v.at[b], out_hbm.at[pl.ds(base, CH)], ssem
            ).wait()

        for j in range(NBUF - 1):
            start_gather(j, j)
        wait_gather(0)
        start_scatter(0, 0)
        start_gather(NBUF - 1, NBUF - 1)

        def group(g, carry):
            j0 = NBUF * g + 1
            for k in range(NBUF):
                b = (1 + k) % NBUF
                j = j0 + k
                wait_gather(b)
                start_scatter(j, b)
                wait_scatter((b + NBUF - 1) % NBUF)
                start_gather(j + NBUF - 1, (b + NBUF - 1) % NBUF)
            return carry

        n_steady = n_ch - NBUF
        lax.fori_loop(0, n_steady // NBUF, group, 0)

        for j in range(1 + NBUF * (n_steady // NBUF), n_ch - NBUF + 1):
            b = j % NBUF
            wait_gather(b)
            start_scatter(j, b)
            wait_scatter((b + NBUF - 1) % NBUF)
            start_gather(j + NBUF - 1, (b + NBUF - 1) % NBUF)

        for j in range(n_ch - NBUF + 1, n_ch):
            b = j % NBUF
            wait_gather(b)
            start_scatter(j, b)
            wait_scatter((b + NBUF - 1) % NBUF)
        wait_scatter((n_ch - 1) % NBUF)

    idx = x.reshape(NW, n_ch, CH).astype(jnp.int32)
    out = gather_k(idx, table)
    return out.reshape(B, S, D)

# --- scband reference (transcript-rebuilt; emitter-appended) ---
"""Pipeline reference for scband-positional-encodding-6725918785963 (READ-ONLY COPY).

The authoritative reference and input builder live on the scoring server;
editing this copy changes nothing except your own understanding.
"""

import jax, jax.numpy as jnp
import numpy as np

EMBED_DIM = 1024
SEQ_LEN = 8192
BATCH = 4

def setup_inputs(seed: int = 0) -> dict:
    key = jax.random.key(seed)
    k1, k2 = jax.random.split(key)
    x = jax.random.randint(k1, (BATCH, SEQ_LEN), 0, SEQ_LEN, dtype=jnp.int64 if jax.config.jax_enable_x64 else jnp.int32)
    # nn.Embedding default init: N(0, 1)
    table = jax.random.normal(k2, (SEQ_LEN, EMBED_DIM), dtype=jnp.float32)
    return {"x": x, "table": table}

def reference(x, table):
    # PositionalEncodding.forward: dropout(positional_embedding(x))
    # Dropout is identity in eval mode (deterministic reference).
    out = jnp.take(table, x, axis=0)  # gather: [B, S, D]
    return out

if __name__ == "__main__":
    import jax
    _d = setup_inputs()
    print(jax.jit(kernel)(*tuple(_d.values())))

</pallas_src>

<mosaic_0001>
#map = affine_map<(d0, d1) -> (0, 0, 0)>
#map1 = affine_map<(d0, d1) -> (0, 0)>
module attributes {stable_mosaic.version = 14 : i64} {
  func.func @gather_k(%arg0: i32, %arg1: i32, %arg2: memref<32x32x32xi32, #tpu.memory_space<hbm>>, %arg3: memref<8192x1024xf32, #tpu.memory_space<hbm>>, %arg4: memref<32768x1024xf32, #tpu.memory_space<hbm>>, %arg5: memref<32x32xi32, #tpu.memory_space<vmem>>, %arg6: memref<3x32x1024xf32, #tpu.memory_space<vmem>>, %arg7: memref<!tpu.dma_semaphore, #tpu.memory_space<semaphore_mem>>, %arg8: memref<!tpu.dma_semaphore, #tpu.memory_space<semaphore_mem>>) attributes {dimension_semantics = [#tpu.dimension_semantics<core_parallel>, #tpu.dimension_semantics<subcore_parallel>], iteration_bounds = array<i64: 2, 16>, scalar_prefetch = 0 : i64, scratch_operands = 4 : i64, tpu.core_type = #tpu.core_type<sc_vector_subcore>, window_params = [{transform_indices = #map}, {transform_indices = #map1}, {transform_indices = #map1}]} {
    %mul3A = arith.constant 2 : i32
    %mul3A_0 = arith.muli %arg1, %mul3A : i32
    %add3A = arith.addi %mul3A_0, %arg0 : i32
    %mul3A_1 = arith.constant 1024 : i32
    %mul3A_2 = arith.muli %add3A, %mul3A_1 : i32
    "tpu.region"() ({
      %run_scoped3A = tpu.sem_alloc : memref<!tpu.dma_semaphore, #tpu.memory_space<semaphore_mem>>
      %dma_start3A_266 = arith.constant 0 : i32
      %dma_start3A_267 = arith.constant 0 : i32
      %dma_start3A_268 = tpu.memref_slice %arg2[%add3A, %dma_start3A_266, %dma_start3A_267] : memref<32x32x32xi32, #tpu.memory_space<hbm>> -> memref<1x32x32xi32, #tpu.memory_space<hbm>>
      %dma_start3A_269 = tpu.memref_squeeze %dma_start3A_268 : memref<1x32x32xi32, #tpu.memory_space<hbm>> -> memref<32x32xi32, #tpu.memory_space<hbm>>
      %dma_start3A_270 = arith.constant 0 : i32
      %dma_start3A_271 = arith.constant 0 : i32
      %dma_start3A_272 = tpu.memref_slice %arg2[%add3A, %dma_start3A_270, %dma_start3A_271] : memref<32x32x32xi32, #tpu.memory_space<hbm>> -> memref<1x32x32xi32, #tpu.memory_space<hbm>>
      %dma_start3A_273 = tpu.memref_squeeze %dma_start3A_272 : memref<1x32x32xi32, #tpu.memory_space<hbm>> -> memref<32x32xi32, #tpu.memory_space<hbm>>
      tpu.enqueue_dma source(%dma_start3A_273 : memref<32x32xi32, #tpu.memory_space<hbm>>) target(%arg5 : memref<32x32xi32, #tpu.memory_space<vmem>>) target_semaphore(%run_scoped3A : memref<!tpu.dma_semaphore, #tpu.memory_space<semaphore_mem>>)
      %dma_wait3A_274 = arith.constant 0 : i32
      %dma_wait3A_275 = arith.constant 0 : i32
      %dma_wait3A_276 = tpu.memref_slice %arg2[%add3A, %dma_wait3A_274, %dma_wait3A_275] : memref<32x32x32xi32, #tpu.memory_space<hbm>> -> memref<1x32x32xi32, #tpu.memory_space<hbm>>
      %dma_wait3A_277 = tpu.memref_squeeze %dma_wait3A_276 : memref<1x32x32xi32, #tpu.memory_space<hbm>> -> memref<32x32xi32, #tpu.memory_space<hbm>>
      %dma_wait3A_278 = arith.constant 0 : i32
      %dma_wait3A_279 = arith.constant 0 : i32
      %dma_wait3A_280 = tpu.memref_slice %arg2[%add3A, %dma_wait3A_278, %dma_wait3A_279] : memref<32x32x32xi32, #tpu.memory_space<hbm>> -> memref<1x32x32xi32, #tpu.memory_space<hbm>>
      %dma_wait3A_281 = tpu.memref_squeeze %dma_wait3A_280 : memref<1x32x32xi32, #tpu.memory_space<hbm>> -> memref<32x32xi32, #tpu.memory_space<hbm>>
      tpu.wait_dma2 semaphore(%run_scoped3A : memref<!tpu.dma_semaphore, #tpu.memory_space<semaphore_mem>>) src(%dma_wait3A_281 : memref<32x32xi32, #tpu.memory_space<hbm>>) dst(%arg5 : memref<32x32xi32, #tpu.memory_space<vmem>>)
      tpu.yield
    }) : () -> ()
    %dma_start3A = arith.constant 0 : i32
    %dma_start3A_3 = arith.constant 0 : i32
    %dma_start3A_4 = arith.constant 0 : i32
    %dma_start3A_5 = arith.constant 0 : i32
    %dma_start3A_6 = tpu.memref_slice %arg6[%dma_start3A_3, %dma_start3A_4, %dma_start3A_5] : memref<3x32x1024xf32, #tpu.memory_space<vmem>> -> memref<1x32x1024xf32, #tpu.memory_space<vmem>>
    %dma_start3A_7 = tpu.memref_squeeze %dma_start3A_6 : memref<1x32x1024xf32, #tpu.memory_space<vmem>> -> memref<32x1024xf32, #tpu.memory_space<vmem>>
    %dma_start3A_8 = arith.constant 0 : i32
    %dma_start3A_9 = tpu.memref_slice %arg5[%dma_start3A, %dma_start3A_8] : memref<32x32xi32, #tpu.memory_space<vmem>> -> memref<1x32xi32, #tpu.memory_space<vmem>>
    %dma_start3A_10 = tpu.memref_squeeze %dma_start3A_9 : memref<1x32xi32, #tpu.memory_space<vmem>> -> memref<32xi32, #tpu.memory_space<vmem>>
    %dma_start3A_11 = arith.constant 0 : i32
    %dma_start3A_12 = arith.constant 0 : i32
    %dma_start3A_13 = tpu.memref_slice %arg3[%dma_start3A_11, %dma_start3A_12] : memref<8192x1024xf32, #tpu.memory_space<hbm>> -> memref<8192x1024xf32, #tpu.memory_space<hbm>>
    tpu.enqueue_indirect_dma source(%dma_start3A_13 : memref<8192x1024xf32, #tpu.memory_space<hbm>>) target(%dma_start3A_7 : memref<32x1024xf32, #tpu.memory_space<vmem>>) offsets(%dma_start3A_10 : memref<32xi32, #tpu.memory_space<vmem>>) semaphore(%arg7 : memref<!tpu.dma_semaphore, #tpu.memory_space<semaphore_mem>>)
    %dma_start3A_14 = arith.constant 1 : i32
    %dma_start3A_15 = arith.constant 1 : i32
    %dma_start3A_16 = arith.constant 0 : i32
    %dma_start3A_17 = arith.constant 0 : i32
    %dma_start3A_18 = tpu.memref_slice %arg6[%dma_start3A_15, %dma_start3A_16, %dma_start3A_17] : memref<3x32x1024xf32, #tpu.memory_space<vmem>> -> memref<1x32x1024xf32, #tpu.memory_space<vmem>>
    %dma_start3A_19 = tpu.memref_squeeze %dma_start3A_18 : memref<1x32x1024xf32, #tpu.memory_space<vmem>> -> memref<32x1024xf32, #tpu.memory_space<vmem>>
    %dma_start3A_20 = arith.constant 0 : i32
    %dma_start3A_21 = tpu.memref_slice %arg5[%dma_start3A_14, %dma_start3A_20] : memref<32x32xi32, #tpu.memory_space<vmem>> -> memref<1x32xi32, #tpu.memory_space<vmem>>
    %dma_start3A_22 = tpu.memref_squeeze %dma_start3A_21 : memref<1x32xi32, #tpu.memory_space<vmem>> -> memref<32xi32, #tpu.memory_space<vmem>>
    %dma_start3A_23 = arith.constant 0 : i32
    %dma_start3A_24 = arith.constant 0 : i32
    %dma_start3A_25 = tpu.memref_slice %arg3[%dma_start3A_23, %dma_start3A_24] : memref<8192x1024xf32, #tpu.memory_space<hbm>> -> memref<8192x1024xf32, #tpu.memory_space<hbm>>
    tpu.enqueue_indirect_dma source(%dma_start3A_25 : memref<8192x1024xf32, #tpu.memory_space<hbm>>) target(%dma_start3A_19 : memref<32x1024xf32, #tpu.memory_space<vmem>>) offsets(%dma_start3A_22 : memref<32xi32, #tpu.memory_space<vmem>>) semaphore(%arg7 : memref<!tpu.dma_semaphore, #tpu.memory_space<semaphore_mem>>)
    %dma_wait3A = arith.constant 0 : i32
    %dma_wait3A_26 = arith.constant 0 : i32
    %dma_wait3A_27 = arith.constant 0 : i32
    %dma_wait3A_28 = arith.constant 0 : i32
    %dma_wait3A_29 = tpu.memref_slice %arg6[%dma_wait3A_26, %dma_wait3A_27, %dma_wait3A_28] : memref<3x32x1024xf32, #tpu.memory_space<vmem>> -> memref<1x32x1024xf32, #tpu.memory_space<vmem>>
    %dma_wait3A_30 = tpu.memref_squeeze %dma_wait3A_29 : memref<1x32x1024xf32, #tpu.memory_space<vmem>> -> memref<32x1024xf32, #tpu.memory_space<vmem>>
    %dma_wait3A_31 = arith.constant 0 : i32
    %dma_wait3A_32 = tpu.memref_slice %arg5[%dma_wait3A, %dma_wait3A_31] : memref<32x32xi32, #tpu.memory_space<vmem>> -> memref<1x32xi32, #tpu.memory_space<vmem>>
    %dma_wait3A_33 = tpu.memref_squeeze %dma_wait3A_32 : memref<1x32xi32, #tpu.memory_space<vmem>> -> memref<32xi32, #tpu.memory_space<vmem>>
    %dma_wait3A_34 = arith.constant 0 : i32
    %dma_wait3A_35 = arith.constant 0 : i32
    %dma_wait3A_36 = tpu.memref_slice %arg3[%dma_wait3A_34, %dma_wait3A_35] : memref<8192x1024xf32, #tpu.memory_space<hbm>> -> memref<8192x1024xf32, #tpu.memory_space<hbm>>
    tpu.wait_indirect_dma semaphore(%arg7 : memref<!tpu.dma_semaphore, #tpu.memory_space<semaphore_mem>>) src(%dma_wait3A_36 : memref<8192x1024xf32, #tpu.memory_space<hbm>>) dst(%dma_wait3A_30 : memref<32x1024xf32, #tpu.memory_space<vmem>>)
    %add3A_37 = arith.constant 0 : i32
    %add3A_38 = arith.addi %mul3A_2, %add3A_37 : i32
    %dma_start3A_39 = arith.constant 0 : i32
    %dma_start3A_40 = arith.constant 0 : i32
    %dma_start3A_41 = arith.constant 0 : i32
    %dma_start3A_42 = tpu.memref_slice %arg6[%dma_start3A_39, %dma_start3A_40, %dma_start3A_41] : memref<3x32x1024xf32, #tpu.memory_space<vmem>> -> memref<1x32x1024xf32, #tpu.memory_space<vmem>>
    %dma_start3A_43 = tpu.memref_squeeze %dma_start3A_42 : memref<1x32x1024xf32, #tpu.memory_space<vmem>> -> memref<32x1024xf32, #tpu.memory_space<vmem>>
    %dma_start3A_44 = arith.constant 0 : i32
    %dma_start3A_45 = tpu.memref_slice %arg4[%add3A_38, %dma_start3A_44] : memref<32768x1024xf32, #tpu.memory_space<hbm>> -> memref<32x1024xf32, #tpu.memory_space<hbm>>
    %dma_start3A_46 = arith.constant 0 : i32
    %dma_start3A_47 = tpu.memref_slice %arg4[%add3A_38, %dma_start3A_46] : memref<32768x1024xf32, #tpu.memory_space<hbm>> -> memref<32x1024xf32, #tpu.memory_space<hbm>>
    %dma_start3A_48 = arith.constant 0 : i32
    %dma_start3A_49 = arith.constant 0 : i32
    %dma_start3A_50 = tpu.memref_slice %arg6[%dma_start3A_39, %dma_start3A_48, %dma_start3A_49] : memref<3x32x1024xf32, #tpu.memory_space<vmem>> -> memref<1x32x1024xf32, #tpu.memory_space<vmem>>
    %dma_start3A_51 = tpu.memref_squeeze %dma_start3A_50 : memref<1x32x1024xf32, #tpu.memory_space<vmem>> -> memref<32x1024xf32, #tpu.memory_space<vmem>>
    tpu.enqueue_dma source(%dma_start3A_51 : memref<32x1024xf32, #tpu.memory_space<vmem>>) target(%dma_start3A_47 : memref<32x1024xf32, #tpu.memory_space<hbm>>) target_semaphore(%arg8 : memref<!tpu.dma_semaphore, #tpu.memory_space<semaphore_mem>>)
    %dma_start3A_52 = arith.constant 2 : i32
    %dma_start3A_53 = arith.constant 2 : i32
    %dma_start3A_54 = arith.constant 0 : i32
    %dma_start3A_55 = arith.constant 0 : i32
    %dma_start3A_56 = tpu.memref_slice %arg6[%dma_start3A_53, %dma_start3A_54, %dma_start3A_55] : memref<3x32x1024xf32, #tpu.memory_space<vmem>> -> memref<1x32x1024xf32, #tpu.memory_space<vmem>>
    %dma_start3A_57 = tpu.memref_squeeze %dma_start3A_56 : memref<1x32x1024xf32, #tpu.memory_space<vmem>> -> memref<32x1024xf32, #tpu.memory_space<vmem>>
    %dma_start3A_58 = arith.constant 0 : i32
    %dma_start3A_59 = tpu.memref_slice %arg5[%dma_start3A_52, %dma_start3A_58] : memref<32x32xi32, #tpu.memory_space<vmem>> -> memref<1x32xi32, #tpu.memory_space<vmem>>
    %dma_start3A_60 = tpu.memref_squeeze %dma_start3A_59 : memref<1x32xi32, #tpu.memory_space<vmem>> -> memref<32xi32, #tpu.memory_space<vmem>>
    %dma_start3A_61 = arith.constant 0 : i32
    %dma_start3A_62 = arith.constant 0 : i32
    %dma_start3A_63 = tpu.memref_slice %arg3[%dma_start3A_61, %dma_start3A_62] : memref<8192x1024xf32, #tpu.memory_space<hbm>> -> memref<8192x1024xf32, #tpu.memory_space<hbm>>
    tpu.enqueue_indirect_dma source(%dma_start3A_63 : memref<8192x1024xf32, #tpu.memory_space<hbm>>) target(%dma_start3A_57 : memref<32x1024xf32, #tpu.memory_space<vmem>>) offsets(%dma_start3A_60 : memref<32xi32, #tpu.memory_space<vmem>>) semaphore(%arg7 : memref<!tpu.dma_semaphore, #tpu.memory_space<semaphore_mem>>)
    %scan3A = arith.constant 0 : i32
    %scan3A_64 = arith.constant 0 : i32
    %scan3A_65 = arith.constant 9 : i32
    %scan3A_66 = arith.addi %scan3A_64, %scan3A_65 : i32
    %scan3A_67 = arith.constant 1 : i32
    scf.for %scan3A_266 = %scan3A_64 to %scan3A_66 step %scan3A_67  : i32 {
      %mul3A_267 = arith.constant 3 : i32
      %mul3A_268 = arith.muli %mul3A_267, %scan3A_266 : i32
      %add3A_269 = arith.constant 1 : i32
      %add3A_270 = arith.addi %mul3A_268, %add3A_269 : i32
      %add3A_271 = arith.constant 0 : i32
      %add3A_272 = arith.addi %add3A_270, %add3A_271 : i32
      %dma_wait3A_273 = arith.constant 0 : i32
      %dma_wait3A_274 = arith.constant 1 : i32
      %dma_wait3A_275 = arith.constant 0 : i32
      %dma_wait3A_276 = arith.constant 0 : i32
      %dma_wait3A_277 = tpu.memref_slice %arg6[%dma_wait3A_274, %dma_wait3A_275, %dma_wait3A_276] : memref<3x32x1024xf32, #tpu.memory_space<vmem>> -> memref<1x32x1024xf32, #tpu.memory_space<vmem>>
      %dma_wait3A_278 = tpu.memref_squeeze %dma_wait3A_277 : memref<1x32x1024xf32, #tpu.memory_space<vmem>> -> memref<32x1024xf32, #tpu.memory_space<vmem>>
      %dma_wait3A_279 = arith.constant 0 : i32
      %dma_wait3A_280 = tpu.memref_slice %arg5[%dma_wait3A_273, %dma_wait3A_279] : memref<32x32xi32, #tpu.memory_space<vmem>> -> memref<1x32xi32, #tpu.memory_space<vmem>>
      %dma_wait3A_281 = tpu.memref_squeeze %dma_wait3A_280 : memref<1x32xi32, #tpu.memory_space<vmem>> -> memref<32xi32, #tpu.memory_space<vmem>>
      %dma_wait3A_282 = arith.constant 0 : i32
      %dma_wait3A_283 = arith.constant 0 : i32
      %dma_wait3A_284 = tpu.memref_slice %arg3[%dma_wait3A_282, %dma_wait3A_283] : memref<8192x1024xf32, #tpu.memory_space<hbm>> -> memref<8192x1024xf32, #tpu.memory_space<hbm>>
      tpu.wait_indirect_dma semaphore(%arg7 : memref<!tpu.dma_semaphore, #tpu.memory_space<semaphore_mem>>) src(%dma_wait3A_284 : memref<8192x1024xf32, #tpu.memory_space<hbm>>) dst(%dma_wait3A_278 : memref<32x1024xf32, #tpu.memory_space<vmem>>)
      %mul3A_285 = arith.constant 32 : i32
      %mul3A_286 = arith.muli %add3A_272, %mul3A_285 : i32
      %add3A_287 = arith.addi %mul3A_2, %mul3A_286 : i32
      %dma_start3A_288 = arith.constant 1 : i32
      %dma_start3A_289 = arith.constant 0 : i32
      %dma_start3A_290 = arith.constant 0 : i32
      %dma_start3A_291 = tpu.memref_slice %arg6[%dma_start3A_288, %dma_start3A_289, %dma_start3A_290] : memref<3x32x1024xf32, #tpu.memory_space<vmem>> -> memref<1x32x1024xf32, #tpu.memory_space<vmem>>
      %dma_start3A_292 = tpu.memref_squeeze %dma_start3A_291 : memref<1x32x1024xf32, #tpu.memory_space<vmem>> -> memref<32x1024xf32, #tpu.memory_space<vmem>>
      %dma_start3A_293 = arith.constant 0 : i32
      %dma_start3A_294 = tpu.memref_slice %arg4[%add3A_287, %dma_start3A_293] : memref<32768x1024xf32, #tpu.memory_space<hbm>> -> memref<32x1024xf32, #tpu.memory_space<hbm>>
      %dma_start3A_295 = arith.constant 0 : i32
      %dma_start3A_296 = tpu.memref_slice %arg4[%add3A_287, %dma_start3A_295] : memref<32768x1024xf32, #tpu.memory_space<hbm>> -> memref<32x1024xf32, #tpu.memory_space<hbm>>
      %dma_start3A_297 = arith.constant 0 : i32
      %dma_start3A_298 = arith.constant 0 : i32
      %dma_start3A_299 = tpu.memref_slice %arg6[%dma_start3A_288, %dma_start3A_297, %dma_start3A_298] : memref<3x32x1024xf32, #tpu.memory_space<vmem>> -> memref<1x32x1024xf32, #tpu.memory_space<vmem>>
      %dma_start3A_300 = tpu.memref_squeeze %dma_start3A_299 : memref<1x32x1024xf32, #tpu.memory_space<vmem>> -> memref<32x1024xf32, #tpu.memory_space<vmem>>
      tpu.enqueue_dma source(%dma_start3A_300 : memref<32x1024xf32, #tpu.memory_space<vmem>>) target(%dma_start3A_296 : memref<32x1024xf32, #tpu.memory_space<hbm>>) target_semaphore(%arg8 : memref<!tpu.dma_semaphore, #tpu.memory_space<semaphore_mem>>)
      %dma_wait3A_301 = arith.constant 0 : i32
      %dma_wait3A_302 = arith.constant 0 : i32
      %dma_wait3A_303 = arith.constant 0 : i32
      %dma_wait3A_304 = tpu.memref_slice %arg6[%dma_wait3A_301, %dma_wait3A_302, %dma_wait3A_303] : memref<3x32x1024xf32, #tpu.memory_space<vmem>> -> memref<1x32x1024xf32, #tpu.memory_space<vmem>>
      %dma_wait3A_305 = tpu.memref_squeeze %dma_wait3A_304 : memref<1x32x1024xf32, #tpu.memory_space<vmem>> -> memref<32x1024xf32, #tpu.memory_space<vmem>>
      %dma_wait3A_306 = arith.constant 0 : i32
      %dma_wait3A_307 = tpu.memref_slice %arg4[%mul3A_2, %dma_wait3A_306] : memref<32768x1024xf32, #tpu.memory_space<hbm>> -> memref<32x1024xf32, #tpu.memory_space<hbm>>
      %dma_wait3A_308 = arith.constant 0 : i32
      %dma_wait3A_309 = tpu.memref_slice %arg4[%mul3A_2, %dma_wait3A_308] : memref<32768x1024xf32, #tpu.memory_space<hbm>> -> memref<32x1024xf32, #tpu.memory_space<hbm>>
      %dma_wait3A_310 = arith.constant 0 : i32
      %dma_wait3A_311 = arith.constant 0 : i32
      %dma_wait3A_312 = tpu.memref_slice %arg6[%dma_wait3A_301, %dma_wait3A_310, %dma_wait3A_311] : memref<3x32x1024xf32, #tpu.memory_space<vmem>> -> memref<1x32x1024xf32, #tpu.memory_space<vmem>>
      %dma_wait3A_313 = tpu.memref_squeeze %dma_wait3A_312 : memref<1x32x1024xf32, #tpu.memory_space<vmem>> -> memref<32x1024xf32, #tpu.memory_space<vmem>>
      tpu.wait_dma2 semaphore(%arg8 : memref<!tpu.dma_semaphore, #tpu.memory_space<semaphore_mem>>) src(%dma_wait3A_313 : memref<32x1024xf32, #tpu.memory_space<vmem>>) dst(%dma_wait3A_309 : memref<32x1024xf32, #tpu.memory_space<hbm>>)
      %add3A_314 = arith.constant 3 : i32
      %add3A_315 = arith.addi %add3A_272, %add3A_314 : i32
      %sub3A = arith.constant 1 : i32
      %sub3A_316 = arith.subi %add3A_315, %sub3A : i32
      %dma_start3A_317 = arith.constant 0 : i32
      %dma_start3A_318 = arith.constant 0 : i32
      %dma_start3A_319 = arith.constant 0 : i32
      %dma_start3A_320 = tpu.memref_slice %arg6[%dma_start3A_317, %dma_start3A_318, %dma_start3A_319] : memref<3x32x1024xf32, #tpu.memory_space<vmem>> -> memref<1x32x1024xf32, #tpu.memory_space<vmem>>
      %dma_start3A_321 = tpu.memref_squeeze %dma_start3A_320 : memref<1x32x1024xf32, #tpu.memory_space<vmem>> -> memref<32x1024xf32, #tpu.memory_space<vmem>>
      %dma_start3A_322 = arith.constant 0 : i32
      %dma_start3A_323 = tpu.memref_slice %arg5[%sub3A_316, %dma_start3A_322] : memref<32x32xi32, #tpu.memory_space<vmem>> -> memref<1x32xi32, #tpu.memory_space<vmem>>
      %dma_start3A_324 = tpu.memref_squeeze %dma_start3A_323 : memref<1x32xi32, #tpu.memory_space<vmem>> -> memref<32xi32, #tpu.memory_space<vmem>>
      %dma_start3A_325 = arith.constant 0 : i32
      %dma_start3A_326 = arith.constant 0 : i32
      %dma_start3A_327 = tpu.memref_slice %arg3[%dma_start3A_325, %dma_start3A_326] : memref<8192x1024xf32, #tpu.memory_space<hbm>> -> memref<8192x1024xf32, #tpu.memory_space<hbm>>
      tpu.enqueue_indirect_dma source(%dma_start3A_327 : memref<8192x1024xf32, #tpu.memory_space<hbm>>) target(%dma_start3A_321 : memref<32x1024xf32, #tpu.memory_space<vmem>>) offsets(%dma_start3A_324 : memref<32xi32, #tpu.memory_space<vmem>>) semaphore(%arg7 : memref<!tpu.dma_semaphore, #tpu.memory_space<semaphore_mem>>)
      %add3A_328 = arith.constant 1 : i32
      %add3A_329 = arith.addi %add3A_270, %add3A_328 : i32
      %dma_wait3A_330 = arith.constant 0 : i32
      %dma_wait3A_331 = arith.constant 2 : i32
      %dma_wait3A_332 = arith.constant 0 : i32
      %dma_wait3A_333 = arith.constant 0 : i32
      %dma_wait3A_334 = tpu.memref_slice %arg6[%dma_wait3A_331, %dma_wait3A_332, %dma_wait3A_333] : memref<3x32x1024xf32, #tpu.memory_space<vmem>> -> memref<1x32x1024xf32, #tpu.memory_space<vmem>>
      %dma_wait3A_335 = tpu.memref_squeeze %dma_wait3A_334 : memref<1x32x1024xf32, #tpu.memory_space<vmem>> -> memref<32x1024xf32, #tpu.memory_space<vmem>>
      %dma_wait3A_336 = arith.constant 0 : i32
      %dma_wait3A_337 = tpu.memref_slice %arg5[%dma_wait3A_330, %dma_wait3A_336] : memref<32x32xi32, #tpu.memory_space<vmem>> -> memref<1x32xi32, #tpu.memory_space<vmem>>
      %dma_wait3A_338 = tpu.memref_squeeze %dma_wait3A_337 : memref<1x32xi32, #tpu.memory_space<vmem>> -> memref<32xi32, #tpu.memory_space<vmem>>
      %dma_wait3A_339 = arith.constant 0 : i32
      %dma_wait3A_340 = arith.constant 0 : i32
      %dma_wait3A_341 = tpu.memref_slice %arg3[%dma_wait3A_339, %dma_wait3A_340] : memref<8192x1024xf32, #tpu.memory_space<hbm>> -> memref<8192x1024xf32, #tpu.memory_space<hbm>>
      tpu.wait_indirect_dma semaphore(%arg7 : memref<!tpu.dma_semaphore, #tpu.memory_space<semaphore_mem>>) src(%dma_wait3A_341 : memref<8192x1024xf32, #tpu.memory_space<hbm>>) dst(%dma_wait3A_335 : memref<32x1024xf32, #tpu.memory_space<vmem>>)
      %mul3A_342 = arith.constant 32 : i32
      %mul3A_343 = arith.muli %add3A_329, %mul3A_342 : i32
      %add3A_344 = arith.addi %mul3A_2, %mul3A_343 : i32
      %dma_start3A_345 = arith.constant 2 : i32
      %dma_start3A_346 = arith.constant 0 : i32
      %dma_start3A_347 = arith.constant 0 : i32
      %dma_start3A_348 = tpu.memref_slice %arg6[%dma_start3A_345, %dma_start3A_346, %dma_start3A_347] : memref<3x32x1024xf32, #tpu.memory_space<vmem>> -> memref<1x32x1024xf32, #tpu.memory_space<vmem>>
      %dma_start3A_349 = tpu.memref_squeeze %dma_start3A_348 : memref<1x32x1024xf32, #tpu.memory_space<vmem>> -> memref<32x1024xf32, #tpu.memory_space<vmem>>
      %dma_start3A_350 = arith.constant 0 : i32
      %dma_start3A_351 = tpu.memref_slice %arg4[%add3A_344, %dma_start3A_350] : memref<32768x1024xf32, #tpu.memory_space<hbm>> -> memref<32x1024xf32, #tpu.memory_space<hbm>>
      %dma_start3A_352 = arith.constant 0 : i32
      %dma_start3A_353 = tpu.memref_slice %arg4[%add3A_344, %dma_start3A_352] : memref<32768x1024xf32, #tpu.memory_space<hbm>> -> memref<32x1024xf32, #tpu.memory_space<hbm>>
      %dma_start3A_354 = arith.constant 0 : i32
      %dma_start3A_355 = arith.constant 0 : i32
      %dma_start3A_356 = tpu.memref_slice %arg6[%dma_start3A_345, %dma_start3A_354, %dma_start3A_355] : memref<3x32x1024xf32, #tpu.memory_space<vmem>> -> memref<1x32x1024xf32, #tpu.memory_space<vmem>>
      %dma_start3A_357 = tpu.memref_squeeze %dma_start3A_356 : memref<1x32x1024xf32, #tpu.memory_space<vmem>> -> memref<32x1024xf32, #tpu.memory_space<vmem>>
      tpu.enqueue_dma source(%dma_start3A_357 : memref<32x1024xf32, #tpu.memory_space<vmem>>) target(%dma_start3A_353 : memref<32x1024xf32, #tpu.memory_space<hbm>>) target_semaphore(%arg8 : memref<!tpu.dma_semaphore, #tpu.memory_space<semaphore_mem>>)
      %dma_wait3A_358 = arith.constant 1 : i32
      %dma_wait3A_359 = arith.constant 0 : i32
      %dma_wait3A_360 = arith.constant 0 : i32
      %dma_wait3A_361 = tpu.memref_slice %arg6[%dma_wait3A_358, %dma_wait3A_359, %dma_wait3A_360] : memref<3x32x1024xf32, #tpu.memory_space<vmem>> -> memref<1x32x1024xf32, #tpu.memory_space<vmem>>
      %dma_wait3A_362 = tpu.memref_squeeze %dma_wait3A_361 : memref<1x32x1024xf32, #tpu.memory_space<vmem>> -> memref<32x1024xf32, #tpu.memory_space<vmem>>
      %dma_wait3A_363 = arith.constant 0 : i32
      %dma_wait3A_364 = tpu.memref_slice %arg4[%mul3A_2, %dma_wait3A_363] : memref<32768x1024xf32, #tpu.memory_space<hbm>> -> memref<32x1024xf32, #tpu.memory_space<hbm>>
      %dma_wait3A_365 = arith.constant 0 : i32
      %dma_wait3A_366 = tpu.memref_slice %arg4[%mul3A_2, %dma_wait3A_365] : memref<32768x1024xf32, #tpu.memory_space<hbm>> -> memref<32x1024xf32, #tpu.memory_space<hbm>>
      %dma_wait3A_367 = arith.constant 0 : i32
      %dma_wait3A_368 = arith.constant 0 : i32
      %dma_wait3A_369 = tpu.memref_slice %arg6[%dma_wait3A_358, %dma_wait3A_367, %dma_wait3A_368] : memref<3x32x1024xf32, #tpu.memory_space<vmem>> -> memref<1x32x1024xf32, #tpu.memory_space<vmem>>
      %dma_wait3A_370 = tpu.memref_squeeze %dma_wait3A_369 : memref<1x32x1024xf32, #tpu.memory_space<vmem>> -> memref<32x1024xf32, #tpu.memory_space<vmem>>
      tpu.wait_dma2 semaphore(%arg8 : memref<!tpu.dma_semaphore, #tpu.memory_space<semaphore_mem>>) src(%dma_wait3A_370 : memref<32x1024xf32, #tpu.memory_space<vmem>>) dst(%dma_wait3A_366 : memref<32x1024xf32, #tpu.memory_space<hbm>>)
      %add3A_371 = arith.constant 3 : i32
      %add3A_372 = arith.addi %add3A_329, %add3A_371 : i32
      %sub3A_373 = arith.constant 1 : i32
      %sub3A_374 = arith.subi %add3A_372, %sub3A_373 : i32
      %dma_start3A_375 = arith.constant 1 : i32
      %dma_start3A_376 = arith.constant 0 : i32
      %dma_start3A_377 = arith.constant 0 : i32
      %dma_start3A_378 = tpu.memref_slice %arg6[%dma_start3A_375, %dma_start3A_376, %dma_start3A_377] : memref<3x32x1024xf32, #tpu.memory_space<vmem>> -> memref<1x32x1024xf32, #tpu.memory_space<vmem>>
      %dma_start3A_379 = tpu.memref_squeeze %dma_start3A_378 : memref<1x32x1024xf32, #tpu.memory_space<vmem>> -> memref<32x1024xf32, #tpu.memory_space<vmem>>
      %dma_start3A_380 = arith.constant 0 : i32
      %dma_start3A_381 = tpu.memref_slice %arg5[%sub3A_374, %dma_start3A_380] : memref<32x32xi32, #tpu.memory_space<vmem>> -> memref<1x32xi32, #tpu.memory_space<vmem>>
      %dma_start3A_382 = tpu.memref_squeeze %dma_start3A_381 : memref<1x32xi32, #tpu.memory_space<vmem>> -> memref<32xi32, #tpu.memory_space<vmem>>
      %dma_start3A_383 = arith.constant 0 : i32
      %dma_start3A_384 = arith.constant 0 : i32
      %dma_start3A_385 = tpu.memref_slice %arg3[%dma_start3A_383, %dma_start3A_384] : memref<8192x1024xf32, #tpu.memory_space<hbm>> -> memref<8192x1024xf32, #tpu.memory_space<hbm>>
      tpu.enqueue_indirect_dma source(%dma_start3A_385 : memref<8192x1024xf32, #tpu.memory_space<hbm>>) target(%dma_start3A_379 : memref<32x1024xf32, #tpu.memory_space<vmem>>) offsets(%dma_start3A_382 : memref<32xi32, #tpu.memory_space<vmem>>) semaphore(%arg7 : memref<!tpu.dma_semaphore, #tpu.memory_space<semaphore_mem>>)
      %add3A_386 = arith.constant 2 : i32
      %add3A_387 = arith.addi %add3A_270, %add3A_386 : i32
      %dma_wait3A_388 = arith.constant 0 : i32
      %dma_wait3A_389 = arith.constant 0 : i32
      %dma_wait3A_390 = arith.constant 0 : i32
      %dma_wait3A_391 = arith.constant 0 : i32
      %dma_wait3A_392 = tpu.memref_slice %arg6[%dma_wait3A_389, %dma_wait3A_390, %dma_wait3A_391] : memref<3x32x1024xf32, #tpu.memory_space<vmem>> -> memref<1x32x1024xf32, #tpu.memory_space<vmem>>
      %dma_wait3A_393 = tpu.memref_squeeze %dma_wait3A_392 : memref<1x32x1024xf32, #tpu.memory_space<vmem>> -> memref<32x1024xf32, #tpu.memory_space<vmem>>
      %dma_wait3A_394 = arith.constant 0 : i32
      %dma_wait3A_395 = tpu.memref_slice %arg5[%dma_wait3A_388, %dma_wait3A_394] : memref<32x32xi32, #tpu.memory_space<vmem>> -> memref<1x32xi32, #tpu.memory_space<vmem>>
      %dma_wait3A_396 = tpu.memref_squeeze %dma_wait3A_395 : memref<1x32xi32, #tpu.memory_space<vmem>> -> memref<32xi32, #tpu.memory_space<vmem>>
      %dma_wait3A_397 = arith.constant 0 : i32
      %dma_wait3A_398 = arith.constant 0 : i32
      %dma_wait3A_399 = tpu.memref_slice %arg3[%dma_wait3A_397, %dma_wait3A_398] : memref<8192x1024xf32, #tpu.memory_space<hbm>> -> memref<8192x1024xf32, #tpu.memory_space<hbm>>
      tpu.wait_indirect_dma semaphore(%arg7 : memref<!tpu.dma_semaphore, #tpu.memory_space<semaphore_mem>>) src(%dma_wait3A_399 : memref<8192x1024xf32, #tpu.memory_space<hbm>>) dst(%dma_wait3A_393 : memref<32x1024xf32, #tpu.memory_space<vmem>>)
      %mul3A_400 = arith.constant 32 : i32
      %mul3A_401 = arith.muli %add3A_387, %mul3A_400 : i32
      %add3A_402 = arith.addi %mul3A_2, %mul3A_401 : i32
      %dma_start3A_403 = arith.constant 0 : i32
      %dma_start3A_404 = arith.constant 0 : i32
      %dma_start3A_405 = arith.constant 0 : i32
      %dma_start3A_406 = tpu.memref_slice %arg6[%dma_start3A_403, %dma_start3A_404, %dma_start3A_405] : memref<3x32x1024xf32, #tpu.memory_space<vmem>> -> memref<1x32x1024xf32, #tpu.memory_space<vmem>>
      %dma_start3A_407 = tpu.memref_squeeze %dma_start3A_406 : memref<1x32x1024xf32, #tpu.memory_space<vmem>> -> memref<32x1024xf32, #tpu.memory_space<vmem>>
      %dma_start3A_408 = arith.constant 0 : i32
      %dma_start3A_409 = tpu.memref_slice %arg4[%add3A_402, %dma_start3A_408] : memref<32768x1024xf32, #tpu.memory_space<hbm>> -> memref<32x1024xf32, #tpu.memory_space<hbm>>
      %dma_start3A_410 = arith.constant 0 : i32
      %dma_start3A_411 = tpu.memref_slice %arg4[%add3A_402, %dma_start3A_410] : memref<32768x1024xf32, #tpu.memory_space<hbm>> -> memref<32x1024xf32, #tpu.memory_space<hbm>>
      %dma_start3A_412 = arith.constant 0 : i32
      %dma_start3A_413 = arith.constant 0 : i32
      %dma_start3A_414 = tpu.memref_slice %arg6[%dma_start3A_403, %dma_start3A_412, %dma_start3A_413] : memref<3x32x1024xf32, #tpu.memory_space<vmem>> -> memref<1x32x1024xf32, #tpu.memory_space<vmem>>
      %dma_start3A_415 = tpu.memref_squeeze %dma_start3A_414 : memref<1x32x1024xf32, #tpu.memory_space<vmem>> -> memref<32x1024xf32, #tpu.memory_space<vmem>>
      tpu.enqueue_dma source(%dma_start3A_415 : memref<32x1024xf32, #tpu.memory_space<vmem>>) target(%dma_start3A_411 : memref<32x1024xf32, #tpu.memory_space<hbm>>) target_semaphore(%arg8 : memref<!tpu.dma_semaphore, #tpu.memory_space<semaphore_mem>>)
      %dma_wait3A_416 = arith.constant 2 : i32
      %dma_wait3A_417 = arith.constant 0 : i32
      %dma_wait3A_418 = arith.constant 0 : i32
      %dma_wait3A_419 = tpu.memref_slice %arg6[%dma_wait3A_416, %dma_wait3A_417, %dma_wait3A_418] : memref<3x32x1024xf32, #tpu.memory_space<vmem>> -> memref<1x32x1024xf32, #tpu.memory_space<vmem>>
      %dma_wait3A_420 = tpu.memref_squeeze %dma_wait3A_419 : memref<1x32x1024xf32, #tpu.memory_space<vmem>> -> memref<32x1024xf32, #tpu.memory_space<vmem>>
      %dma_wait3A_421 = arith.constant 0 : i32
      %dma_wait3A_422 = tpu.memref_slice %arg4[%mul3A_2, %dma_wait3A_421] : memref<32768x1024xf32, #tpu.memory_space<hbm>> -> memref<32x1024xf32, #tpu.memory_space<hbm>>
      %dma_wait3A_423 = arith.constant 0 : i32
      %dma_wait3A_424 = tpu.memref_slice %arg4[%mul3A_2, %dma_wait3A_423] : memref<32768x1024xf32, #tpu.memory_space<hbm>> -> memref<32x1024xf32, #tpu.memory_space<hbm>>
      %dma_wait3A_425 = arith.constant 0 : i32
      %dma_wait3A_426 = arith.constant 0 : i32
      %dma_wait3A_427 = tpu.memref_slice %arg6[%dma_wait3A_416, %dma_wait3A_425, %dma_wait3A_426] : memref<3x32x1024xf32, #tpu.memory_space<vmem>> -> memref<1x32x1024xf32, #tpu.memory_space<vmem>>
      %dma_wait3A_428 = tpu.memref_squeeze %dma_wait3A_427 : memref<1x32x1024xf32, #tpu.memory_space<vmem>> -> memref<32x1024xf32, #tpu.memory_space<vmem>>
      tpu.wait_dma2 semaphore(%arg8 : memref<!tpu.dma_semaphore, #tpu.memory_space<semaphore_mem>>) src(%dma_wait3A_428 : memref<32x1024xf32, #tpu.memory_space<vmem>>) dst(%dma_wait3A_424 : memref<32x1024xf32, #tpu.memory_space<hbm>>)
      %add3A_429 = arith.constant 3 : i32
      %add3A_430 = arith.addi %add3A_387, %add3A_429 : i32
      %sub3A_431 = arith.constant 1 : i32
      %sub3A_432 = arith.subi %add3A_430, %sub3A_431 : i32
      %dma_start3A_433 = arith.constant 2 : i32
      %dma_start3A_434 = arith.constant 0 : i32
      %dma_start3A_435 = arith.constant 0 : i32
      %dma_start3A_436 = tpu.memref_slice %arg6[%dma_start3A_433, %dma_start3A_434, %dma_start3A_435] : memref<3x32x1024xf32, #tpu.memory_space<vmem>> -> memref<1x32x1024xf32, #tpu.memory_space<vmem>>
      %dma_start3A_437 = tpu.memref_squeeze %dma_start3A_436 : memref<1x32x1024xf32, #tpu.memory_space<vmem>> -> memref<32x1024xf32, #tpu.memory_space<vmem>>
      %dma_start3A_438 = arith.constant 0 : i32
      %dma_start3A_439 = tpu.memref_slice %arg5[%sub3A_432, %dma_start3A_438] : memref<32x32xi32, #tpu.memory_space<vmem>> -> memref<1x32xi32, #tpu.memory_space<vmem>>
      %dma_start3A_440 = tpu.memref_squeeze %dma_start3A_439 : memref<1x32xi32, #tpu.memory_space<vmem>> -> memref<32xi32, #tpu.memory_space<vmem>>
      %dma_start3A_441 = arith.constant 0 : i32
      %dma_start3A_442 = arith.constant 0 : i32
      %dma_start3A_443 = tpu.memref_slice %arg3[%dma_start3A_441, %dma_start3A_442] : memref<8192x1024xf32, #tpu.memory_space<hbm>> -> memref<8192x1024xf32, #tpu.memory_space<hbm>>
      tpu.enqueue_indirect_dma source(%dma_start3A_443 : memref<8192x1024xf32, #tpu.memory_space<hbm>>) target(%dma_start3A_437 : memref<32x1024xf32, #tpu.memory_space<vmem>>) offsets(%dma_start3A_440 : memref<32xi32, #tpu.memory_space<vmem>>) semaphore(%arg7 : memref<!tpu.dma_semaphore, #tpu.memory_space<semaphore_mem>>)
    }
    %scan3A_68 = arith.constant 9 : i32
    %dma_wait3A_69 = arith.constant 0 : i32
    %dma_wait3A_70 = arith.constant 1 : i32
    %dma_wait3A_71 = arith.constant 0 : i32
    %dma_wait3A_72 = arith.constant 0 : i32
    %dma_wait3A_73 = tpu.memref_slice %arg6[%dma_wait3A_70, %dma_wait3A_71, %dma_wait3A_72] : memref<3x32x1024xf32, #tpu.memory_space<vmem>> -> memref<1x32x1024xf32, #tpu.memory_space<vmem>>
    %dma_wait3A_74 = tpu.memref_squeeze %dma_wait3A_73 : memref<1x32x1024xf32, #tpu.memory_space<vmem>> -> memref<32x1024xf32, #tpu.memory_space<vmem>>
    %dma_wait3A_75 = arith.constant 0 : i32
    %dma_wait3A_76 = tpu.memref_slice %arg5[%dma_wait3A_69, %dma_wait3A_75] : memref<32x32xi32, #tpu.memory_space<vmem>> -> memref<1x32xi32, #tpu.memory_space<vmem>>
    %dma_wait3A_77 = tpu.memref_squeeze %dma_wait3A_76 : memref<1x32xi32, #tpu.memory_space<vmem>> -> memref<32xi32, #tpu.memory_space<vmem>>
    %dma_wait3A_78 = arith.constant 0 : i32
    %dma_wait3A_79 = arith.constant 0 : i32
    %dma_wait3A_80 = tpu.memref_slice %arg3[%dma_wait3A_78, %dma_wait3A_79] : memref<8192x1024xf32, #tpu.memory_space<hbm>> -> memref<8192x1024xf32, #tpu.memory_space<hbm>>
    tpu.wait_indirect_dma semaphore(%arg7 : memref<!tpu.dma_semaphore, #tpu.memory_space<semaphore_mem>>) src(%dma_wait3A_80 : memref<8192x1024xf32, #tpu.memory_space<hbm>>) dst(%dma_wait3A_74 : memref<32x1024xf32, #tpu.memory_space<vmem>>)
    %add3A_81 = arith.constant 896 : i32
    %add3A_82 = arith.addi %mul3A_2, %add3A_81 : i32
    %dma_start3A_83 = arith.constant 1 : i32
    %dma_start3A_84 = arith.constant 0 : i32
    %dma_start3A_85 = arith.constant 0 : i32
    %dma_start3A_86 = tpu.memref_slice %arg6[%dma_start3A_83, %dma_start3A_84, %dma_start3A_85] : memref<3x32x1024xf32, #tpu.memory_space<vmem>> -> memref<1x32x1024xf32, #tpu.memory_space<vmem>>
    %dma_start3A_87 = tpu.memref_squeeze %dma_start3A_86 : memref<1x32x1024xf32, #tpu.memory_space<vmem>> -> memref<32x1024xf32, #tpu.memory_space<vmem>>
    %dma_start3A_88 = arith.constant 0 : i32
    %dma_start3A_89 = tpu.memref_slice %arg4[%add3A_82, %dma_start3A_88] : memref<32768x1024xf32, #tpu.memory_space<hbm>> -> memref<32x1024xf32, #tpu.memory_space<hbm>>
    %dma_start3A_90 = arith.constant 0 : i32
    %dma_start3A_91 = tpu.memref_slice %arg4[%add3A_82, %dma_start3A_90] : memref<32768x1024xf32, #tpu.memory_space<hbm>> -> memref<32x1024xf32, #tpu.memory_space<hbm>>
    %dma_start3A_92 = arith.constant 0 : i32
    %dma_start3A_93 = arith.constant 0 : i32
    %dma_start3A_94 = tpu.memref_slice %arg6[%dma_start3A_83, %dma_start3A_92, %dma_start3A_93] : memref<3x32x1024xf32, #tpu.memory_space<vmem>> -> memref<1x32x1024xf32, #tpu.memory_space<vmem>>
    %dma_start3A_95 = tpu.memref_squeeze %dma_start3A_94 : memref<1x32x1024xf32, #tpu.memory_space<vmem>> -> memref<32x1024xf32, #tpu.memory_space<vmem>>
    tpu.enqueue_dma source(%dma_start3A_95 : memref<32x1024xf32, #tpu.memory_space<vmem>>) target(%dma_start3A_91 : memref<32x1024xf32, #tpu.memory_space<hbm>>) target_semaphore(%arg8 : memref<!tpu.dma_semaphore, #tpu.memory_space<semaphore_mem>>)
    %dma_wait3A_96 = arith.constant 0 : i32
    %dma_wait3A_97 = arith.constant 0 : i32
    %dma_wait3A_98 = arith.constant 0 : i32
    %dma_wait3A_99 = tpu.memref_slice %arg6[%dma_wait3A_96, %dma_wait3A_97, %dma_wait3A_98] : memref<3x32x1024xf32, #tpu.memory_space<vmem>> -> memref<1x32x1024xf32, #tpu.memory_space<vmem>>
    %dma_wait3A_100 = tpu.memref_squeeze %dma_wait3A_99 : memref<1x32x1024xf32, #tpu.memory_space<vmem>> -> memref<32x1024xf32, #tpu.memory_space<vmem>>
    %dma_wait3A_101 = arith.constant 0 : i32
    %dma_wait3A_102 = tpu.memref_slice %arg4[%mul3A_2, %dma_wait3A_101] : memref<32768x1024xf32, #tpu.memory_space<hbm>> -> memref<32x1024xf32, #tpu.memory_space<hbm>>
    %dma_wait3A_103 = arith.constant 0 : i32
    %dma_wait3A_104 = tpu.memref_slice %arg4[%mul3A_2, %dma_wait3A_103] : memref<32768x1024xf32, #tpu.memory_space<hbm>> -> memref<32x1024xf32, #tpu.memory_space<hbm>>
    %dma_wait3A_105 = arith.constant 0 : i32
    %dma_wait3A_106 = arith.constant 0 : i32
    %dma_wait3A_107 = tpu.memref_slice %arg6[%dma_wait3A_96, %dma_wait3A_105, %dma_wait3A_106] : memref<3x32x1024xf32, #tpu.memory_space<vmem>> -> memref<1x32x1024xf32, #tpu.memory_space<vmem>>
    %dma_wait3A_108 = tpu.memref_squeeze %dma_wait3A_107 : memref<1x32x1024xf32, #tpu.memory_space<vmem>> -> memref<32x1024xf32, #tpu.memory_space<vmem>>
    tpu.wait_dma2 semaphore(%arg8 : memref<!tpu.dma_semaphore, #tpu.memory_space<semaphore_mem>>) src(%dma_wait3A_108 : memref<32x1024xf32, #tpu.memory_space<vmem>>) dst(%dma_wait3A_104 : memref<32x1024xf32, #tpu.memory_space<hbm>>)
    %dma_start3A_109 = arith.constant 30 : i32
    %dma_start3A_110 = arith.constant 0 : i32
    %dma_start3A_111 = arith.constant 0 : i32
    %dma_start3A_112 = arith.constant 0 : i32
    %dma_start3A_113 = tpu.memref_slice %arg6[%dma_start3A_110, %dma_start3A_111, %dma_start3A_112] : memref<3x32x1024xf32, #tpu.memory_space<vmem>> -> memref<1x32x1024xf32, #tpu.memory_space<vmem>>
    %dma_start3A_114 = tpu.memref_squeeze %dma_start3A_113 : memref<1x32x1024xf32, #tpu.memory_space<vmem>> -> memref<32x1024xf32, #tpu.memory_space<vmem>>
    %dma_start3A_115 = arith.constant 0 : i32
    %dma_start3A_116 = tpu.memref_slice %arg5[%dma_start3A_109, %dma_start3A_115] : memref<32x32xi32, #tpu.memory_space<vmem>> -> memref<1x32xi32, #tpu.memory_space<vmem>>
    %dma_start3A_117 = tpu.memref_squeeze %dma_start3A_116 : memref<1x32xi32, #tpu.memory_space<vmem>> -> memref<32xi32, #tpu.memory_space<vmem>>
    %dma_start3A_118 = arith.constant 0 : i32
    %dma_start3A_119 = arith.constant 0 : i32
    %dma_start3A_120 = tpu.memref_slice %arg3[%dma_start3A_118, %dma_start3A_119] : memref<8192x1024xf32, #tpu.memory_space<hbm>> -> memref<8192x1024xf32, #tpu.memory_space<hbm>>
    tpu.enqueue_indirect_dma source(%dma_start3A_120 : memref<8192x1024xf32, #tpu.memory_space<hbm>>) target(%dma_start3A_114 : memref<32x1024xf32, #tpu.memory_space<vmem>>) offsets(%dma_start3A_117 : memref<32xi32, #tpu.memory_space<vmem>>) semaphore(%arg7 : memref<!tpu.dma_semaphore, #tpu.memory_space<semaphore_mem>>)
    %dma_wait3A_121 = arith.constant 0 : i32
    %dma_wait3A_122 = arith.constant 2 : i32
    %dma_wait3A_123 = arith.constant 0 : i32
    %dma_wait3A_124 = arith.constant 0 : i32
    %dma_wait3A_125 = tpu.memref_slice %arg6[%dma_wait3A_122, %dma_wait3A_123, %dma_wait3A_124] : memref<3x32x1024xf32, #tpu.memory_space<vmem>> -> memref<1x32x1024xf32, #tpu.memory_space<vmem>>
    %dma_wait3A_126 = tpu.memref_squeeze %dma_wait3A_125 : memref<1x32x1024xf32, #tpu.memory_space<vmem>> -> memref<32x1024xf32, #tpu.memory_space<vmem>>
    %dma_wait3A_127 = arith.constant 0 : i32
    %dma_wait3A_128 = tpu.memref_slice %arg5[%dma_wait3A_121, %dma_wait3A_127] : memref<32x32xi32, #tpu.memory_space<vmem>> -> memref<1x32xi32, #tpu.memory_space<vmem>>
    %dma_wait3A_129 = tpu.memref_squeeze %dma_wait3A_128 : memref<1x32xi32, #tpu.memory_space<vmem>> -> memref<32xi32, #tpu.memory_space<vmem>>
    %dma_wait3A_130 = arith.constant 0 : i32
    %dma_wait3A_131 = arith.constant 0 : i32
    %dma_wait3A_132 = tpu.memref_slice %arg3[%dma_wait3A_130, %dma_wait3A_131] : memref<8192x1024xf32, #tpu.memory_space<hbm>> -> memref<8192x1024xf32, #tpu.memory_space<hbm>>
    tpu.wait_indirect_dma semaphore(%arg7 : memref<!tpu.dma_semaphore, #tpu.memory_space<semaphore_mem>>) src(%dma_wait3A_132 : memref<8192x1024xf32, #tpu.memory_space<hbm>>) dst(%dma_wait3A_126 : memref<32x1024xf32, #tpu.memory_space<vmem>>)
    %add3A_133 = arith.constant 928 : i32
    %add3A_134 = arith.addi %mul3A_2, %add3A_133 : i32
    %dma_start3A_135 = arith.constant 2 : i32
    %dma_start3A_136 = arith.constant 0 : i32
    %dma_start3A_137 = arith.constant 0 : i32
    %dma_start3A_138 = tpu.memref_slice %arg6[%dma_start3A_135, %dma_start3A_136, %dma_start3A_137] : memref<3x32x1024xf32, #tpu.memory_space<vmem>> -> memref<1x32x1024xf32, #tpu.memory_space<vmem>>
    %dma_start3A_139 = tpu.memref_squeeze %dma_start3A_138 : memref<1x32x1024xf32, #tpu.memory_space<vmem>> -> memref<32x1024xf32, #tpu.memory_space<vmem>>
    %dma_start3A_140 = arith.constant 0 : i32
    %dma_start3A_141 = tpu.memref_slice %arg4[%add3A_134, %dma_start3A_140] : memref<32768x1024xf32, #tpu.memory_space<hbm>> -> memref<32x1024xf32, #tpu.memory_space<hbm>>
    %dma_start3A_142 = arith.constant 0 : i32
    %dma_start3A_143 = tpu.memref_slice %arg4[%add3A_134, %dma_start3A_142] : memref<32768x1024xf32, #tpu.memory_space<hbm>> -> memref<32x1024xf32, #tpu.memory_space<hbm>>
    %dma_start3A_144 = arith.constant 0 : i32
    %dma_start3A_145 = arith.constant 0 : i32
    %dma_start3A_146 = tpu.memref_slice %arg6[%dma_start3A_135, %dma_start3A_144, %dma_start3A_145] : memref<3x32x1024xf32, #tpu.memory_space<vmem>> -> memref<1x32x1024xf32, #tpu.memory_space<vmem>>
    %dma_start3A_147 = tpu.memref_squeeze %dma_start3A_146 : memref<1x32x1024xf32, #tpu.memory_space<vmem>> -> memref<32x1024xf32, #tpu.memory_space<vmem>>
    tpu.enqueue_dma source(%dma_start3A_147 : memref<32x1024xf32, #tpu.memory_space<vmem>>) target(%dma_start3A_143 : memref<32x1024xf32, #tpu.memory_space<hbm>>) target_semaphore(%arg8 : memref<!tpu.dma_semaphore, #tpu.memory_space<semaphore_mem>>)
    %dma_wait3A_148 = arith.constant 1 : i32
    %dma_wait3A_149 = arith.constant 0 : i32
    %dma_wait3A_150 = arith.constant 0 : i32
    %dma_wait3A_151 = tpu.memref_slice %arg6[%dma_wait3A_148, %dma_wait3A_149, %dma_wait3A_150] : memref<3x32x1024xf32, #tpu.memory_space<vmem>> -> memref<1x32x1024xf32, #tpu.memory_space<vmem>>
    %dma_wait3A_152 = tpu.memref_squeeze %dma_wait3A_151 : memref<1x32x1024xf32, #tpu.memory_space<vmem>> -> memref<32x1024xf32, #tpu.memory_space<vmem>>
    %dma_wait3A_153 = arith.constant 0 : i32
    %dma_wait3A_154 = tpu.memref_slice %arg4[%mul3A_2, %dma_wait3A_153] : memref<32768x1024xf32, #tpu.memory_space<hbm>> -> memref<32x1024xf32, #tpu.memory_space<hbm>>
    %dma_wait3A_155 = arith.constant 0 : i32
    %dma_wait3A_156 = tpu.memref_slice %arg4[%mul3A_2, %dma_wait3A_155] : memref<32768x1024xf32, #tpu.memory_space<hbm>> -> memref<32x1024xf32, #tpu.memory_space<hbm>>
    %dma_wait3A_157 = arith.constant 0 : i32
    %dma_wait3A_158 = arith.constant 0 : i32
    %dma_wait3A_159 = tpu.memref_slice %arg6[%dma_wait3A_148, %dma_wait3A_157, %dma_wait3A_158] : memref<3x32x1024xf32, #tpu.memory_space<vmem>> -> memref<1x32x1024xf32, #tpu.memory_space<vmem>>
    %dma_wait3A_160 = tpu.memref_squeeze %dma_wait3A_159 : memref<1x32x1024xf32, #tpu.memory_space<vmem>> -> memref<32x1024xf32, #tpu.memory_space<vmem>>
    tpu.wait_dma2 semaphore(%arg8 : memref<!tpu.dma_semaphore, #tpu.memory_space<semaphore_mem>>) src(%dma_wait3A_160 : memref<32x1024xf32, #tpu.memory_space<vmem>>) dst(%dma_wait3A_156 : memref<32x1024xf32, #tpu.memory_space<hbm>>)
    %dma_start3A_161 = arith.constant 31 : i32
    %dma_start3A_162 = arith.constant 1 : i32
    %dma_start3A_163 = arith.constant 0 : i32
    %dma_start3A_164 = arith.constant 0 : i32
    %dma_start3A_165 = tpu.memref_slice %arg6[%dma_start3A_162, %dma_start3A_163, %dma_start3A_164] : memref<3x32x1024xf32, #tpu.memory_space<vmem>> -> memref<1x32x1024xf32, #tpu.memory_space<vmem>>
    %dma_start3A_166 = tpu.memref_squeeze %dma_start3A_165 : memref<1x32x1024xf32, #tpu.memory_space<vmem>> -> memref<32x1024xf32, #tpu.memory_space<vmem>>
    %dma_start3A_167 = arith.constant 0 : i32
    %dma_start3A_168 = tpu.memref_slice %arg5[%dma_start3A_161, %dma_start3A_167] : memref<32x32xi32, #tpu.memory_space<vmem>> -> memref<1x32xi32, #tpu.memory_space<vmem>>
    %dma_start3A_169 = tpu.memref_squeeze %dma_start3A_168 : memref<1x32xi32, #tpu.memory_space<vmem>> -> memref<32xi32, #tpu.memory_space<vmem>>
    %dma_start3A_170 = arith.constant 0 : i32
    %dma_start3A_171 = arith.constant 0 : i32
    %dma_start3A_172 = tpu.memref_slice %arg3[%dma_start3A_170, %dma_start3A_171] : memref<8192x1024xf32, #tpu.memory_space<hbm>> -> memref<8192x1024xf32, #tpu.memory_space<hbm>>
    tpu.enqueue_indirect_dma source(%dma_start3A_172 : memref<8192x1024xf32, #tpu.memory_space<hbm>>) target(%dma_start3A_166 : memref<32x1024xf32, #tpu.memory_space<vmem>>) offsets(%dma_start3A_169 : memref<32xi32, #tpu.memory_space<vmem>>) semaphore(%arg7 : memref<!tpu.dma_semaphore, #tpu.memory_space<semaphore_mem>>)
    %dma_wait3A_173 = arith.constant 0 : i32
    %dma_wait3A_174 = arith.constant 0 : i32
    %dma_wait3A_175 = arith.constant 0 : i32
    %dma_wait3A_176 = arith.constant 0 : i32
    %dma_wait3A_177 = tpu.memref_slice %arg6[%dma_wait3A_174, %dma_wait3A_175, %dma_wait3A_176] : memref<3x32x1024xf32, #tpu.memory_space<vmem>> -> memref<1x32x1024xf32, #tpu.memory_space<vmem>>
    %dma_wait3A_178 = tpu.memref_squeeze %dma_wait3A_177 : memref<1x32x1024xf32, #tpu.memory_space<vmem>> -> memref<32x1024xf32, #tpu.memory_space<vmem>>
    %dma_wait3A_179 = arith.constant 0 : i32
    %dma_wait3A_180 = tpu.memref_slice %arg5[%dma_wait3A_173, %dma_wait3A_179] : memref<32x32xi32, #tpu.memory_space<vmem>> -> memref<1x32xi32, #tpu.memory_space<vmem>>
    %dma_wait3A_181 = tpu.memref_squeeze %dma_wait3A_180 : memref<1x32xi32, #tpu.memory_space<vmem>> -> memref<32xi32, #tpu.memory_space<vmem>>
    %dma_wait3A_182 = arith.constant 0 : i32
    %dma_wait3A_183 = arith.constant 0 : i32
    %dma_wait3A_184 = tpu.memref_slice %arg3[%dma_wait3A_182, %dma_wait3A_183] : memref<8192x1024xf32, #tpu.memory_space<hbm>> -> memref<8192x1024xf32, #tpu.memory_space<hbm>>
    tpu.wait_indirect_dma semaphore(%arg7 : memref<!tpu.dma_semaphore, #tpu.memory_space<semaphore_mem>>) src(%dma_wait3A_184 : memref<8192x1024xf32, #tpu.memory_space<hbm>>) dst(%dma_wait3A_178 : memref<32x1024xf32, #tpu.memory_space<vmem>>)
    %add3A_185 = arith.constant 960 : i32
    %add3A_186 = arith.addi %mul3A_2, %add3A_185 : i32
    %dma_start3A_187 = arith.constant 0 : i32
    %dma_start3A_188 = arith.constant 0 : i32
    %dma_start3A_189 = arith.constant 0 : i32
    %dma_start3A_190 = tpu.memref_slice %arg6[%dma_start3A_187, %dma_start3A_188, %dma_start3A_189] : memref<3x32x1024xf32, #tpu.memory_space<vmem>> -> memref<1x32x1024xf32, #tpu.memory_space<vmem>>
    %dma_start3A_191 = tpu.memref_squeeze %dma_start3A_190 : memref<1x32x1024xf32, #tpu.memory_space<vmem>> -> memref<32x1024xf32, #tpu.memory_space<vmem>>
    %dma_start3A_192 = arith.constant 0 : i32
    %dma_start3A_193 = tpu.memref_slice %arg4[%add3A_186, %dma_start3A_192] : memref<32768x1024xf32, #tpu.memory_space<hbm>> -> memref<32x1024xf32, #tpu.memory_space<hbm>>
    %dma_start3A_194 = arith.constant 0 : i32
    %dma_start3A_195 = tpu.memref_slice %arg4[%add3A_186, %dma_start3A_194] : memref<32768x1024xf32, #tpu.memory_space<hbm>> -> memref<32x1024xf32, #tpu.memory_space<hbm>>
    %dma_start3A_196 = arith.constant 0 : i32
    %dma_start3A_197 = arith.constant 0 : i32
    %dma_start3A_198 = tpu.memref_slice %arg6[%dma_start3A_187, %dma_start3A_196, %dma_start3A_197] : memref<3x32x1024xf32, #tpu.memory_space<vmem>> -> memref<1x32x1024xf32, #tpu.memory_space<vmem>>
    %dma_start3A_199 = tpu.memref_squeeze %dma_start3A_198 : memref<1x32x1024xf32, #tpu.memory_space<vmem>> -> memref<32x1024xf32, #tpu.memory_space<vmem>>
    tpu.enqueue_dma source(%dma_start3A_199 : memref<32x1024xf32, #tpu.memory_space<vmem>>) target(%dma_start3A_195 : memref<32x1024xf32, #tpu.memory_space<hbm>>) target_semaphore(%arg8 : memref<!tpu.dma_semaphore, #tpu.memory_space<semaphore_mem>>)
    %dma_wait3A_200 = arith.constant 2 : i32
    %dma_wait3A_201 = arith.constant 0 : i32
    %dma_wait3A_202 = arith.constant 0 : i32
    %dma_wait3A_203 = tpu.memref_slice %arg6[%dma_wait3A_200, %dma_wait3A_201, %dma_wait3A_202] : memref<3x32x1024xf32, #tpu.memory_space<vmem>> -> memref<1x32x1024xf32, #tpu.memory_space<vmem>>
    %dma_wait3A_204 = tpu.memref_squeeze %dma_wait3A_203 : memref<1x32x1024xf32, #tpu.memory_space<vmem>> -> memref<32x1024xf32, #tpu.memory_space<vmem>>
    %dma_wait3A_205 = arith.constant 0 : i32
    %dma_wait3A_206 = tpu.memref_slice %arg4[%mul3A_2, %dma_wait3A_205] : memref<32768x1024xf32, #tpu.memory_space<hbm>> -> memref<32x1024xf32, #tpu.memory_space<hbm>>
    %dma_wait3A_207 = arith.constant 0 : i32
    %dma_wait3A_208 = tpu.memref_slice %arg4[%mul3A_2, %dma_wait3A_207] : memref<32768x1024xf32, #tpu.memory_space<hbm>> -> memref<32x1024xf32, #tpu.memory_space<hbm>>
    %dma_wait3A_209 = arith.constant 0 : i32
    %dma_wait3A_210 = arith.constant 0 : i32
    %dma_wait3A_211 = tpu.memref_slice %arg6[%dma_wait3A_200, %dma_wait3A_209, %dma_wait3A_210] : memref<3x32x1024xf32, #tpu.memory_space<vmem>> -> memref<1x32x1024xf32, #tpu.memory_space<vmem>>
    %dma_wait3A_212 = tpu.memref_squeeze %dma_wait3A_211 : memref<1x32x1024xf32, #tpu.memory_space<vmem>> -> memref<32x1024xf32, #tpu.memory_space<vmem>>
    tpu.wait_dma2 semaphore(%arg8 : memref<!tpu.dma_semaphore, #tpu.memory_space<semaphore_mem>>) src(%dma_wait3A_212 : memref<32x1024xf32, #tpu.memory_space<vmem>>) dst(%dma_wait3A_208 : memref<32x1024xf32, #tpu.memory_space<hbm>>)
    %dma_wait3A_213 = arith.constant 0 : i32
    %dma_wait3A_214 = arith.constant 1 : i32
    %dma_wait3A_215 = arith.constant 0 : i32
    %dma_wait3A_216 = arith.constant 0 : i32
    %dma_wait3A_217 = tpu.memref_slice %arg6[%dma_wait3A_214, %dma_wait3A_215, %dma_wait3A_216] : memref<3x32x1024xf32, #tpu.memory_space<vmem>> -> memref<1x32x1024xf32, #tpu.memory_space<vmem>>
    %dma_wait3A_218 = tpu.memref_squeeze %dma_wait3A_217 : memref<1x32x1024xf32, #tpu.memory_space<vmem>> -> memref<32x1024xf32, #tpu.memory_space<vmem>>
    %dma_wait3A_219 = arith.constant 0 : i32
    %dma_wait3A_220 = tpu.memref_slice %arg5[%dma_wait3A_213, %dma_wait3A_219] : memref<32x32xi32, #tpu.memory_space<vmem>> -> memref<1x32xi32, #tpu.memory_space<vmem>>
    %dma_wait3A_221 = tpu.memref_squeeze %dma_wait3A_220 : memref<1x32xi32, #tpu.memory_space<vmem>> -> memref<32xi32, #tpu.memory_space<vmem>>
    %dma_wait3A_222 = arith.constant 0 : i32
    %dma_wait3A_223 = arith.constant 0 : i32
    %dma_wait3A_224 = tpu.memref_slice %arg3[%dma_wait3A_222, %dma_wait3A_223] : memref<8192x1024xf32, #tpu.memory_space<hbm>> -> memref<8192x1024xf32, #tpu.memory_space<hbm>>
    tpu.wait_indirect_dma semaphore(%arg7 : memref<!tpu.dma_semaphore, #tpu.memory_space<semaphore_mem>>) src(%dma_wait3A_224 : memref<8192x1024xf32, #tpu.memory_space<hbm>>) dst(%dma_wait3A_218 : memref<32x1024xf32, #tpu.memory_space<vmem>>)
    %add3A_225 = arith.constant 992 : i32
    %add3A_226 = arith.addi %mul3A_2, %add3A_225 : i32
    %dma_start3A_227 = arith.constant 1 : i32
    %dma_start3A_228 = arith.constant 0 : i32
    %dma_start3A_229 = arith.constant 0 : i32
    %dma_start3A_230 = tpu.memref_slice %arg6[%dma_start3A_227, %dma_start3A_228, %dma_start3A_229] : memref<3x32x1024xf32, #tpu.memory_space<vmem>> -> memref<1x32x1024xf32, #tpu.memory_space<vmem>>
    %dma_start3A_231 = tpu.memref_squeeze %dma_start3A_230 : memref<1x32x1024xf32, #tpu.memory_space<vmem>> -> memref<32x1024xf32, #tpu.memory_space<vmem>>
    %dma_start3A_232 = arith.constant 0 : i32
    %dma_start3A_233 = tpu.memref_slice %arg4[%add3A_226, %dma_start3A_232] : memref<32768x1024xf32, #tpu.memory_space<hbm>> -> memref<32x1024xf32, #tpu.memory_space<hbm>>
    %dma_start3A_234 = arith.constant 0 : i32
    %dma_start3A_235 = tpu.memref_slice %arg4[%add3A_226, %dma_start3A_234] : memref<32768x1024xf32, #tpu.memory_space<hbm>> -> memref<32x1024xf32, #tpu.memory_space<hbm>>
    %dma_start3A_236 = arith.constant 0 : i32
    %dma_start3A_237 = arith.constant 0 : i32
    %dma_start3A_238 = tpu.memref_slice %arg6[%dma_start3A_227, %dma_start3A_236, %dma_start3A_237] : memref<3x32x1024xf32, #tpu.memory_space<vmem>> -> memref<1x32x1024xf32, #tpu.memory_space<vmem>>
    %dma_start3A_239 = tpu.memref_squeeze %dma_start3A_238 : memref<1x32x1024xf32, #tpu.memory_space<vmem>> -> memref<32x1024xf32, #tpu.memory_space<vmem>>
    tpu.enqueue_dma source(%dma_start3A_239 : memref<32x1024xf32, #tpu.memory_space<vmem>>) target(%dma_start3A_235 : memref<32x1024xf32, #tpu.memory_space<hbm>>) target_semaphore(%arg8 : memref<!tpu.dma_semaphore, #tpu.memory_space<semaphore_mem>>)
    %dma_wait3A_240 = arith.constant 0 : i32
    %dma_wait3A_241 = arith.constant 0 : i32
    %dma_wait3A_242 = arith.constant 0 : i32
    %dma_wait3A_243 = tpu.memref_slice %arg6[%dma_wait3A_240, %dma_wait3A_241, %dma_wait3A_242] : memref<3x32x1024xf32, #tpu.memory_space<vmem>> -> memref<1x32x1024xf32, #tpu.memory_space<vmem>>
    %dma_wait3A_244 = tpu.memref_squeeze %dma_wait3A_243 : memref<1x32x1024xf32, #tpu.memory_space<vmem>> -> memref<32x1024xf32, #tpu.memory_space<vmem>>
    %dma_wait3A_245 = arith.constant 0 : i32
    %dma_wait3A_246 = tpu.memref_slice %arg4[%mul3A_2, %dma_wait3A_245] : memref<32768x1024xf32, #tpu.memory_space<hbm>> -> memref<32x1024xf32, #tpu.memory_space<hbm>>
    %dma_wait3A_247 = arith.constant 0 : i32
    %dma_wait3A_248 = tpu.memref_slice %arg4[%mul3A_2, %dma_wait3A_247] : memref<32768x1024xf32, #tpu.memory_space<hbm>> -> memref<32x1024xf32, #tpu.memory_space<hbm>>
    %dma_wait3A_249 = arith.constant 0 : i32
    %dma_wait3A_250 = arith.constant 0 : i32
    %dma_wait3A_251 = tpu.memref_slice %arg6[%dma_wait3A_240, %dma_wait3A_249, %dma_wait3A_250] : memref<3x32x1024xf32, #tpu.memory_space<vmem>> -> memref<1x32x1024xf32, #tpu.memory_space<vmem>>
    %dma_wait3A_252 = tpu.memref_squeeze %dma_wait3A_251 : memref<1x32x1024xf32, #tpu.memory_space<vmem>> -> memref<32x1024xf32, #tpu.memory_space<vmem>>
    tpu.wait_dma2 semaphore(%arg8 : memref<!tpu.dma_semaphore, #tpu.memory_space<semaphore_mem>>) src(%dma_wait3A_252 : memref<32x1024xf32, #tpu.memory_space<vmem>>) dst(%dma_wait3A_248 : memref<32x1024xf32, #tpu.memory_space<hbm>>)
    %dma_wait3A_253 = arith.constant 1 : i32
    %dma_wait3A_254 = arith.constant 0 : i32
    %dma_wait3A_255 = arith.constant 0 : i32
    %dma_wait3A_256 = tpu.memref_slice %arg6[%dma_wait3A_253, %dma_wait3A_254, %dma_wait3A_255] : memref<3x32x1024xf32, #tpu.memory_space<vmem>> -> memref<1x32x1024xf32, #tpu.memory_space<vmem>>
    %dma_wait3A_257 = tpu.memref_squeeze %dma_wait3A_256 : memref<1x32x1024xf32, #tpu.memory_space<vmem>> -> memref<32x1024xf32, #tpu.memory_space<vmem>>
    %dma_wait3A_258 = arith.constant 0 : i32
    %dma_wait3A_259 = tpu.memref_slice %arg4[%mul3A_2, %dma_wait3A_258] : memref<32768x1024xf32, #tpu.memory_space<hbm>> -> memref<32x1024xf32, #tpu.memory_space<hbm>>
    %dma_wait3A_260 = arith.constant 0 : i32
    %dma_wait3A_261 = tpu.memref_slice %arg4[%mul3A_2, %dma_wait3A_260] : memref<32768x1024xf32, #tpu.memory_space<hbm>> -> memref<32x1024xf32, #tpu.memory_space<hbm>>
    %dma_wait3A_262 = arith.constant 0 : i32
    %dma_wait3A_263 = arith.constant 0 : i32
    %dma_wait3A_264 = tpu.memref_slice %arg6[%dma_wait3A_253, %dma_wait3A_262, %dma_wait3A_263] : memref<3x32x1024xf32, #tpu.memory_space<vmem>> -> memref<1x32x1024xf32, #tpu.memory_space<vmem>>
    %dma_wait3A_265 = tpu.memref_squeeze %dma_wait3A_264 : memref<1x32x1024xf32, #tpu.memory_space<vmem>> -> memref<32x1024xf32, #tpu.memory_space<vmem>>
    tpu.wait_dma2 semaphore(%arg8 : memref<!tpu.dma_semaphore, #tpu.memory_space<semaphore_mem>>) src(%dma_wait3A_265 : memref<32x1024xf32, #tpu.memory_space<vmem>>) dst(%dma_wait3A_261 : memref<32x1024xf32, #tpu.memory_space<hbm>>)
    return
  }
}

</mosaic_0001>

<sc_bundles>
// kernel: kernel.3.cloned.1.call-start
scs
__scs_entry_jumppad:
0x0: {  	(pc) =	sbr.rel $0x88, $3  }
0x1: {  	(tag) =	ssettag $0x0;
	lr =	simm.s32 $0x1  }
0x2: {  	[smem:$0x3F9F] =	sst lr;
	_ =	strace $0xD0000000  }
0x3: {  	_ = 	snop  }
0x4: {  	_ = 	snop  }
0x5: {  	_ = 	snop  }
0x6: {  	_ = 	snop  }
0x7: {  	_ = 	snop  }
__scs_overlays_trampoline_lowered:
0x8: {  	[smem:$0x3FAE] =	sst s0  }
0x9: {  	[smem:$0x3FAF] =	sst s1  }
0xa: {  	[smem:$0x3FB0] =	sst s2  }
0xb: {  	[smem:$0x3FB1] =	sst s3  }
0xc: {  	[smem:$0x3FB2] =	sst s4  }
0xd: {  	[smem:$0x3FB3] =	sst s5  }
0xe: {  	[smem:$0x3FB4] =	sst s6  }
0xf: {  	[smem:$0x3FB5] =	sst s7  }
0x10: {  	[smem:$0x3FB6] =	sst s8  }
0x11: {  	[smem:$0x3FB7] =	sst s9;
	s0 =	simm.s32 @!p0 $0x0  }
0x12: {  	s1 =	sld [smem:$0x3F9D];
	s0 =	simm.s32 @p0 $0x1  }
0x13: {  	[smem:$0x3FB8] =	sst s0;
	s0 =	simm.s32 @!p1 $0x0  }
0x14: {  	s2 =	sld [smem:$0x3F9C];
	s0 =	simm.s32 @p1 $0x1  }
0x15: {  	[smem:$0x3FB9] =	sst s0;
	s0 =	simm.s32 @!p2 $0x0  }
0x16: {  	s3 =	sld [smem:$0x3FDB];
	s0 =	simm.s32 @p2 $0x1  }
0x17: {  	s4 =	simm.s32 $0x1BF5;
	[smem:$0x3FBB] =	sst s0  }
0x18: {  	s0 =	sld [smem:$0x3F9E];
	_ =	swait.ge [sflag:s4], $0x0  }
0x19: {  	s7 =	sld [smem:$0x3F9F]  }
0x1a: {  	s8 =	sadd.s32 $0xFFFFE003, lr  }
0x1b: {  	s9 =	sadd.s32 $0xFFFFFEF7, lr;
	s5 =	simm.s32 $0xFFFFFFFF;
	p2 =	slt.u32 s8, $0xFFFFF086  }
0x1c: {  	p1 =	slt.u32 s9, $0xF7A;
	s5 =	simm.s32 @!p2 $0x0  }
0x1d: {  	s5 =	simm.s32 @p1 $0x1;
	p0 =	seq.s32 s7, s2  }
0x1e: {  	s7 =	smul.u32 @!p0 $0xF7A, s2;
	p2 =	seq.s32 @!p0 s5, $0x0  }
0x1f: {  	s9 =	smul.u32 $0xF7A, s1;
	s8 =	simm.s32 @!p0 $0x1BF5;
	p2 =	por !p2, p0  }
0x20: {  	[sflag:s8] =	ssyncset.s32 @!p0 $0xFFFFF086;
	s6 =	sadd.s32 @!p0 s3, s7;
	s7 =	simm.s32 @!p0 $0x108  }
0x21: {  	s3 =	sadd.s32 s3, s9;
	s6 =	sadd.s32 @!p0 $0x88, s6;
	s7 =	simm.s32 @p2 $0x1082  }
0x22: {  	[simem:s7], [sflag:s8] =	dma.local @!p0 [hbm:s6], $0xF7A  }
0x23: {  	s9 =	sor.u32 $0xD0000000, s2;
	s6 =	simm.s32 $0x108;
	_ =	swait.ge @!p0 [sflag:s8], $0x0  }
0x24: {  	s3 =	sadd.s32 $0x88, s3;
	s6 =	simm.s32 @!p1 $0x1082;
	[sflag:s4] =	ssyncset.s32 $0xFFFFF086  }
0x25: {  	[simem:s6], [sflag:s4] =	dma.local [hbm:s3], $0xF7A  }
0x26: {  	[smem:$0x3F9F] =	sst s1;
	(tag) =	ssettag s2;
	_ =	strace s9  }
0x27: {  	s1 =	sld [smem:$0x3FAF]  }
0x28: {  	s2 =	sld [smem:$0x3FB0]  }
0x29: {  	s4 =	sld [smem:$0x3FB2]  }
0x2a: {  	p0 =	seq.s32 s5, $0x0;
	s5 =	sld [smem:$0x3FB3]  }
0x2b: {  	s6 =	sld [smem:$0x3FB4]  }
0x2c: {  	s7 =	sld [smem:$0x3FB5]  }
0x2d: {  	s3 =	simm.s32 $0x108;
	s8 =	sld [smem:$0x3FB6]  }
0x2e: {  	s3 =	simm.s32 @!p0 $0x1082;
	s9 =	sld [smem:$0x3FB7]  }
0x2f: {  	lr =	sadd.s32 s0, s3;
	s0 =	sld [smem:$0x3FAE]  }
0x30: {  	s3 =	sld [smem:$0x3FB1]  }
0x31: {  	[smem:$0x3FBA] =	sst s10  }
0x32: {  	s10 =	sld [smem:$0x3FB8];
	_ =	sdelay $0x3  }
0x33: {  	p0 =	seq.s32 s10, $0x1;
	s10 =	sld [smem:$0x3FBA];
	_ =	sdelay $0x3  }
0x34: {  	[smem:$0x3FBA] =	sst s10  }
0x35: {  	s10 =	sld [smem:$0x3FB9];
	_ =	sdelay $0x3  }
0x36: {  	p1 =	seq.s32 s10, $0x1;
	s10 =	sld [smem:$0x3FBA];
	_ =	sdelay $0x3  }
0x37: {  	[smem:$0x3FBA] =	sst s10  }
0x38: {  	s10 =	sld [smem:$0x3FBB]  }
0x39: {  	_ = 	snop;
	(pc) =	sbr.ind lr, $3  }
0x3a: {  	_ = 	snop  }
0x3b: {  	_ = 	snop  }
0x3c: {  	p2 =	seq.s32 s10, $0x1;
	s10 =	sld [smem:$0x3FBA]  }
0x3d: {  	_ =	shalt  }
0x3e: {  	_ =	shalt  }
0x3f: {  	_ =	shalt  }
0x40: {  	_ =	shalt  }
0x41: {  	_ =	shalt  }
0x42: {  	_ =	shalt  }
0x43: {  	_ =	shalt  }
0x44: {  	_ =	shalt  }
0x45: {  	_ =	shalt  }
0x46: {  	_ =	shalt  }
0x47: {  	_ =	shalt  }
0x48: {  	_ =	shalt  }
0x49: {  	_ =	shalt  }
0x4a: {  	_ =	shalt  }
0x4b: {  	_ =	shalt  }
0x4c: {  	_ =	shalt  }
0x4d: {  	_ =	shalt  }
0x4e: {  	_ =	shalt  }
0x4f: {  	_ =	shalt  }
0x50: {  	_ =	shalt  }
0x51: {  	_ =	shalt  }
0x52: {  	_ =	shalt  }
0x53: {  	_ =	shalt  }
0x54: {  	_ =	shalt  }
0x55: {  	_ =	shalt  }
0x56: {  	_ =	shalt  }
0x57: {  	_ =	shalt  }
0x58: {  	_ =	shalt  }
0x59: {  	_ =	shalt  }
0x5a: {  	_ =	shalt  }
0x5b: {  	_ =	shalt  }
0x5c: {  	_ =	shalt  }
0x5d: {  	_ =	shalt  }
0x5e: {  	_ =	shalt  }
0x5f: {  	_ =	shalt  }
0x60: {  	_ =	shalt  }
0x61: {  	_ =	shalt  }
0x62: {  	_ =	shalt  }
0x63: {  	_ =	shalt  }
0x64: {  	_ =	shalt  }
0x65: {  	_ =	shalt  }
0x66: {  	_ =	shalt  }
0x67: {  	_ =	shalt  }
0x68: {  	_ =	shalt  }
0x69: {  	_ =	shalt  }
0x6a: {  	_ =	shalt  }
0x6b: {  	_ =	shalt  }
0x6c: {  	_ =	shalt  }
0x6d: {  	_ =	shalt  }
0x6e: {  	_ =	shalt  }
0x6f: {  	_ =	shalt  }
0x70: {  	_ =	shalt  }
0x71: {  	_ =	shalt  }
0x72: {  	_ =	shalt  }
0x73: {  	_ =	shalt  }
0x74: {  	_ =	shalt  }
0x75: {  	_ =	shalt  }
0x76: {  	_ =	shalt  }
0x77: {  	_ =	shalt  }
0x78: {  	_ =	shalt  }
0x79: {  	_ =	shalt  }
0x7a: {  	_ =	shalt  }
0x7b: {  	_ =	shalt  }
0x7c: {  	_ =	shalt  }
0x7d: {  	_ =	shalt  }
0x7e: {  	_ =	shalt  }
0x7f: {  	_ =	shalt  }
0x80: {  	_ =	shalt  }
0x81: {  	_ =	shalt  }
0x82: {  	_ =	shalt  }
0x83: {  	_ =	shalt  }
0x84: {  	_ =	shalt  }
0x85: {  	_ =	shalt  }
0x86: {  	_ =	shalt  }
0x87: {  	_ =	shalt  }
.Lfunc_end0:
.L_simem_size_0:
called_computation_lowered:
.L_overlay_start_0:
0x88: {  	s2 =	sld [smem:$0x3FD9]  }
0x89: {  	s3 =	sld [smem:$0x3FFE];
	_ =	sdelay $0x1  }
0x8a: {  	s1 =	srdreg.scid  }
0x8b: {  	s0 =	sand.u32 $0x1, s1  }
0x8c: {  	s17 =	sshll.u32 s0, $0xA;
	s2 =	sadd.s32 s3, s2  }
0x8d: {  	s2 =	sadd.s32 s2, s17  }
0x8e: {  	[smem:$0x3FC6] =	sst s2  }
0x8f: {  	_ = 	snop  }
0x90: {  	s2 =	sld [smem:$0x3FC8]  }
0x91: {  	s18 =	sld [smem:$0x3FD0];
	(tm) =	ssettm $0x1  }
0x92: {  	s4 =	sld [smem:$0x3FFB];
	_ =	sdelay $0x3  }
0x93: {  	_ =	strace s4  }
0x94: {  	s4 =	sld [smem:$0x3FFC];
	_ =	sdelay $0x3  }
0x95: {  	_ =	strace s4  }
0x96: {  	s4 =	sld [smem:$0x3FFD];
	_ =	sdelay $0x3  }
0x97: {  	_ =	strace s4  }
0x98: {  	_ =	strace $0x8FFFFFFF  }
0x99: {  	s19 =	sld [smem:$0x3FDB];
	_ =	sdelay $0x1  }
0x9a: {  	s5 =	simm.s32 $_scs_section_size  }
0x9b: {  	s6 =	simm.s32 $_size__tile_overlayer_lowered;
	s7 =	simm.s32 $_tile_overlayer_lowered  }
0x9c: {  	s22 =	simm.s32 $0x1BFF;
	s21 =	sshll.u32 s7, $0x1;
	s4 =	sadd.s32 s5, s19  }
0x9d: {  	s8 =	simm.s32 $0x0;
	s20 =	sshll.u32 s6, $0x1;
	s6 =	sadd.s32 s21, s4  }
0x9e: {  	[timem:s8], [sflag:s22] =	dma.local [hbm:s6], s20  }
0x9f: {  	_ =	swait.ge [sflag:s22], s20  }
0xa0: {  	s5 =	ssub.s32 $0x0, s20;
	[sflag:s22] =	ssyncset.done $0x0  }
0xa1: {  	[sflag:s22] =	ssyncadd.s32 s5;
	_ =	sdelay $0x1  }
0xa2: {  	s23 =	simm.s32 $0x1B8B  }
0xa3: {  	_ =	swait.ge [sflag:s23], $0x1  }
0xa4: {  	[sflag:s23] =	ssyncset.done $0x0  }
0xa5: {  	s25 =	simm.s32 $0x1B8E;
	s24 =	sld [smem:$0x3FFE];
	[sflag:s23] =	ssyncadd.s32 $0xFFFFFFFF  }
0xa6: {  	s26 =	simm.s32 $execute0_lowered;
	[smem:$0x3FD2] =	sst s25  }
0xa7: {  	s6 =	sshll.u32 s26, $0x1;
	_ =	strace $0x80000046;
	[dreg:$0x1] =	wrdreg $0xFFFFFFFF  }
0xa8: {  	s28 =	simm.s32 $_size_execute0_lowered;
	s4 =	sadd.s32 s4, s6;
	[dreg:$0x0] =	wrdreg $0x0  }
0xa9: {  	s6 =	sshll.u32 s28, $0x1;
	[dreg:$0x2] =	wrdreg s4  }
0xaa: {  	[dreg:$0x3] =	wrdreg s6  }
0xab: {  	[dreg:$0x4] =	wrdreg $0xC0  }
0xac: {  	_ =	task [dreg:s8], $0x5FFFF  }
0xad: {  	[dreg:$0x1] =	wrdreg $0xFFFFFFFF  }
0xae: {  	[dreg:$0x0] =	wrdreg $0x60  }
0xaf: {  	[dreg:$0x2] =	wrdreg s24  }
0xb0: {  	[dreg:$0x3] =	wrdreg s2  }
0xb1: {  	[dreg:$0x4] =	wrdreg s18  }
0xb2: {  	[dreg:$0x5] =	wrdreg $0x9  }
0xb3: {  	_ =	task.clear_ibuf [dreg:s8], $0x6FFFF;
	_ =	strace $0x90000046  }
0xb4: {  	s29 =	simm.s32 $0x9;
	_ =	strace $0x80000048  }
0xb5: {  	_ =	swait.ge [sflag:s29], $0x1  }
0xb6: {  	[sflag:s29] =	ssyncadd.s32 $0xFFFFFFFF  }
0xb7: {  	_ =	strace $0x90000048  }
0xb8: {  	_ =	sfence  }
0xb9: {  	s30 =	sld [smem:$0x0];
	_ =	sdelay $0x2  }
0xba: {  	s31 =	sshll.u32 s1, $0xD;
	s1 =	sshrl.u32 s1, $0x2  }
0xbb: {  	s3 =	sand.u32 $0x4000, s31;
	s1 =	sadd.s32 s1, s30  }
0xbc: {  	s0 =	sor.u32 s3, s0;
	s1 =	sshll.u32 s1, $0x11  }
0xbd: {  	s0 =	sor.u32 s1, s0  }
0xbe: {  	s0 =	sadd.s32 $0x8F2B, s0  }
0xbf: {  	[sflag:s0] =	ssyncadd.remote.s32 $0x1  }
0xc0: {  	_ =	sfence.sel $0xFFFF  }
0xc1: {  	[dreg:$0x0] =	wrdreg $0xFFFFFFFF;
	(pc) =	sbr.abs _section_cstart, $3  }
0xc2: {  	[dreg:$0x1] =	wrdreg $0xFFFFFFFF  }
0xc3: {  	_ =	task.clear_ibuf [dreg:s8], $0x2FFFF;
	_ =	strace $0x9FFFFFFF  }
0xc4: {  	(tm) =	ssettm $0x7FFFFFFF  }
0xc5: {  	_ =	shalt  }
tec
execute0_lowered:
.L_overlay_start_1:
0x0: {  	(tag) =	ssettag $0x1  }
0x1: {  	s0 =	rddreg [dreg:$0x0]  }
0x2: {  	s2 =	rddreg [dreg:$0x1]  }
0x3: {  	s1 =	srdreg.scid;
	s9 =	stileid.u32  }
0x4: {  	s4 =	rddreg [dreg:$0x2];
	s3 =	simm.s32 $0x0;
	s15 =	simm.s32 $0x1000  }
0x5: {  	s18 =	simm.s32 $0xF000;
	s19 =	simm.s32 $0xF800;
	s14 =	simm.s32 $0x11800  }
0x6: {  	s28 =	simm.s32 $0x12000;
	s16 =	simm.s32 $0x12800;
	s29 =	simm.s32 $0x13000  }
0x7: {  	s17 =	simm.s32 $0x13800;
	s30 =	simm.s32 $0x14000;
	s31 =	simm.s32 $0x14800  }
0x8: {  	s11 =	simm.s32 $0x17000;
	s12 =	simm.s32 $0x18000;
	s13 =	simm.s32 $0x2  }
0x9: {  	s1 =	sand.u32 $0x1, s1;
	s5 =	sshll.u32 s9, $0x1;
	[smem:$0x7FF] =	sst s3  }
0xa: {  	s8 =	sadd.s32 $0x300, s2;
	s22 =	sshll.u32 s9, $0x12;
	s9 =	simm.s32 $0x16000  }
0xb: {  	s5 =	sor.u32 s1, s5;
	s7 =	ssub.s32 $0x2, s1;
	_ =	strace $0x80000047  }
0xc: {  	s1 =	sshll.u32 s1, $0x11;
	s6 =	sshll.u32 s5, $0x9;
	s21 =	sshll.u32 s5, $0x11  }
0xd: {  	s20 =	sshrl.u32 s7, $0x1;
	s0 =	sadd.s32 s6, s0;
	s10 =	sadd.s32 s4, s21  }
0xe: {  	s5 =	sadd.s32 $0x100, s2;
	s0 =	sadd.s32 $0x400, s0;
	[dreg:$0x6] =	wrdreg s10  }
0xf: {  	s7 =	ssub.s32 s7, s20;
	s23 =	sadd.s32 $0x1D000, s10;
	[dreg:$0x5] =	wrdreg s0  }
0x10: {  	s6 =	sadd.s32 $0x200, s2;
	s24 =	sadd.s32 $0x1E000, s10;
	[dreg:$0x8] =	wrdreg s23  }
0x11: {  	s20 =	simm.s32 $0x10000;
	s25 =	sadd.s32 $0x1F000, s10;
	[dreg:$0x9] =	wrdreg s24  }
0x12: {  	s21 =	simm.s32 $0x10800;
	s26 =	smax.u32 s7, $0x1;
	[dreg:$0xa] =	wrdreg s25  }
0x13: {  	s0 =	sadd.s32 $0x1C000, s10;
	[dreg:$0xb] =	wrdreg s26;
	s23 =	simm.s32 $0x11000  }
0x14: {  	s10 =	simm.s32 $0x16800;
	s24 =	simm.s32 $0x17800;
	s25 =	simm.s32 $0x18800  }
0x15: {  	v2 =	vlaneseq.u32;
	s26 =	simm.s32 $0x0;
	[dreg:$0x7] =	wrdreg s0;
	s0 =	sadd.s32 s22, s4  }
0x16: {  	vm0 =	vmmov $0xffff;
	v1 =	vshrl.u32 v2, $0x3;
	s22 =	simm.s32 $0x1;
	s4 =	simm.s32 $0x15800;
	s0 =	sadd.s32 s1, s0  }
0x17: {  	v0 =	vand.u32 $0x7, v2;
	v2 =	vor.u32 $0x8, v2;
	v1 =	vmul.u32 $0x8, v1;
	s1 =	simm.s32 $0x9000;
	[dreg:$0x4] =	wrdreg s0;
	s0 =	simm.s32 $0x15000  }
.LBB2_1:
0x18: {  	[dreg:$0xc] =	wrdreg s26  }
0x19: {  	s7 =	rddreg [dreg:$0x5];
	s26 =	simm.s32 $0x3  }
0x1a: {  	[tilespmem:s3], [sflag:$0x3] =	stream.linear.gather [hbm4b:s7+s3], $0x1000, $0x38;
	[tilespmem:$0x19000] =	vst v63  }
0x1b: {  	_ =	swait.ge [sflag:s26], $0x1000  }
0x1c: {  	[sflag:s26] =	ssyncset.done $0x0  }
0x1d: {  	[sflag:s26] =	ssyncadd.s32 $0xFFFFF000  }
0x1e: {  	v3 =	vld [tilespmem:$0x0];
	_ =	sdelay $0x4  }
0x1f: {  	v4 =	vshll.u32 v3, $0x3  }
0x20: {  	v3 =	vand.u32 $0x7, v3;
	v4 =	vand.u32 $0xFFFFFFC0, v4  }
0x21: {  	v3 =	vor.u32 v3, v4  }
0x22: {  	v4 =	vperm.xlane v3, v0;
	_ =	sdelay $0x1  }
0x23: {  	v4 =	vadd.s32 v1, v4;
	_ =	sdelay $0x4  }
0x24: {  	[tilespmem:s15], [sflag:$0x1] =	stream.indirect_vreg.gather [hbm4b:s2+s3], $0x80, v4, vm0, $0xb8;
	[tilespmem:$0x19000] =	vst v63  }
0x25: {  	s26 =	simm.s32 $0x1800;
	v3 =	vperm.xlane v3, v2  }
0x26: {  	[tilespmem:s26], [sflag:$0x1] =	stream.indirect_vreg.gather [hbm4b:s5+s3], $0x80, v4, vm0, $0xb8;
	[tilespmem:$0x19000] =	vst v63  }
0x27: {  	v3 =	vadd.s32 v1, v3;
	s26 =	simm.s32 $0x2000  }
0x28: {  	[tilespmem:s26], [sflag:$0x1] =	stream.indirect_vreg.gather [hbm4b:s6+s3], $0x80, v4, vm0, $0xb8;
	[tilespmem:$0x19000] =	vst v63  }
0x29: {  	s26 =	simm.s32 $0x2800  }
0x2a: {  	[tilespmem:s26], [sflag:$0x1] =	stream.indirect_vreg.gather [hbm4b:s8+s3], $0x80, v4, vm0, $0xb8;
	[tilespmem:$0x19000] =	vst v63  }
0x2b: {  	s26 =	simm.s32 $0x3000  }
0x2c: {  	[tilespmem:s26], [sflag:$0x1] =	stream.indirect_vreg.gather [hbm4b:s2+s3], $0x80, v3, vm0, $0xb8;
	[tilespmem:$0x19000] =	vst v63  }
0x2d: {  	s26 =	simm.s32 $0x3800  }
0x2e: {  	[tilespmem:s26], [sflag:$0x1] =	stream.indirect_vreg.gather [hbm4b:s5+s3], $0x80, v3, vm0, $0xb8;
	[tilespmem:$0x19000] =	vst v63  }
0x2f: {  	s26 =	simm.s32 $0x4000  }
0x30: {  	[tilespmem:s26], [sflag:$0x1] =	stream.indirect_vreg.gather [hbm4b:s6+s3], $0x80, v3, vm0, $0xb8;
	[tilespmem:$0x19000] =	vst v63  }
0x31: {  	s26 =	simm.s32 $0x4800  }
0x32: {  	[tilespmem:s26], [sflag:$0x1] =	stream.indirect_vreg.gather [hbm4b:s8+s3], $0x80, v3, vm0, $0xb8;
	[tilespmem:$0x19000] =	vst v63  }
0x33: {  	v3 =	vld [tilespmem:$0x10];
	_ =	sdelay $0x4  }
0x34: {  	v59 =	vshll.u32 v3, $0x3  }
0x35: {  	v3 =	vand.u32 $0x7, v3;
	v4 =	vand.u32 $0xFFFFFFC0, v59  }
0x36: {  	v3 =	vor.u32 v3, v4  }
0x37: {  	v4 =	vperm.xlane v3, v0;
	_ =	sdelay $0x1  }
0x38: {  	v4 =	vadd.s32 v1, v4;
	_ =	sdelay $0x3  }
0x39: {  	s26 =	simm.s32 $0x5000  }
0x3a: {  	[tilespmem:s26], [sflag:$0x1] =	stream.indirect_vreg.gather [hbm4b:s2+s3], $0x80, v4, vm0, $0xb8;
	[tilespmem:$0x19000] =	vst v63  }
0x3b: {  	v3 =	vperm.xlane v3, v2;
	s26 =	simm.s32 $0x5800  }
0x3c: {  	[tilespmem:s26], [sflag:$0x1] =	stream.indirect_vreg.gather [hbm4b:s5+s3], $0x80, v4, vm0, $0xb8;
	[tilespmem:$0x19000] =	vst v63  }
0x3d: {  	v3 =	vadd.s32 v1, v3;
	s26 =	simm.s32 $0x6000  }
0x3e: {  	[tilespmem:s26], [sflag:$0x1] =	stream.indirect_vreg.gather [hbm4b:s6+s3], $0x80, v4, vm0, $0xb8;
	[tilespmem:$0x19000] =	vst v63  }
0x3f: {  	s26 =	simm.s32 $0x6800  }
0x40: {  	[tilespmem:s26], [sflag:$0x1] =	stream.indirect_vreg.gather [hbm4b:s8+s3], $0x80, v4, vm0, $0xb8;
	[tilespmem:$0x19000] =	vst v63  }
0x41: {  	s26 =	simm.s32 $0x7000  }
0x42: {  	[tilespmem:s26], [sflag:$0x1] =	stream.indirect_vreg.gather [hbm4b:s2+s3], $0x80, v3, vm0, $0xb8;
	[tilespmem:$0x19000] =	vst v63  }
0x43: {  	s26 =	simm.s32 $0x7800  }
0x44: {  	[tilespmem:s26], [sflag:$0x1] =	stream.indirect_vreg.gather [hbm4b:s5+s3], $0x80, v3, vm0, $0xb8;
	[tilespmem:$0x19000] =	vst v63  }
0x45: {  	s26 =	simm.s32 $0x8000  }
0x46: {  	[tilespmem:s26], [sflag:$0x1] =	stream.indirect_vreg.gather [hbm4b:s6+s3], $0x80, v3, vm0, $0xb8;
	[tilespmem:$0x19000] =	vst v63  }
0x47: {  	s26 =	simm.s32 $0x8800  }
0x48: {  	[tilespmem:s26], [sflag:$0x1] =	stream.indirect_vreg.gather [hbm4b:s8+s3], $0x80, v3, vm0, $0xb8;
	[tilespmem:$0x19000] =	vst v63  }
0x49: {  	v3 =	vld [tilespmem:$0x80];
	_ =	sdelay $0x4  }
0x4a: {  	v60 =	vshll.u32 v3, $0x3  }
0x4b: {  	v3 =	vand.u32 $0x7, v3;
	v4 =	vand.u32 $0xFFFFFFC0, v60  }
0x4c: {  	v3 =	vor.u32 v3, v4  }
0x4d: {  	v4 =	vperm.xlane v3, v0;
	_ =	sdelay $0x1  }
0x4e: {  	v4 =	vadd.s32 v1, v4;
	_ =	sdelay $0x4  }
0x4f: {  	[tilespmem:s1], [sflag:$0x1] =	stream.indirect_vreg.gather [hbm4b:s2+s3], $0x80, v4, vm0, $0xb8;
	[tilespmem:$0x19000] =	vst v63  }
0x50: {  	s26 =	simm.s32 $0x9800;
	v3 =	vperm.xlane v3, v2  }
0x51: {  	[tilespmem:s26], [sflag:$0x1] =	stream.indirect_vreg.gather [hbm4b:s5+s3], $0x80, v4, vm0, $0xb8;
	[tilespmem:$0x19000] =	vst v63  }
0x52: {  	v3 =	vadd.s32 v1, v3;
	s26 =	simm.s32 $0xA000  }
0x53: {  	[tilespmem:s26], [sflag:$0x1] =	stream.indirect_vreg.gather [hbm4b:s6+s3], $0x80, v4, vm0, $0xb8;
	[tilespmem:$0x19000] =	vst v63  }
0x54: {  	s26 =	simm.s32 $0xA800  }
0x55: {  	[tilespmem:s26], [sflag:$0x1] =	stream.indirect_vreg.gather [hbm4b:s8+s3], $0x80, v4, vm0, $0xb8;
	[tilespmem:$0x19000] =	vst v63  }
0x56: {  	s26 =	simm.s32 $0xB000  }
0x57: {  	[tilespmem:s26], [sflag:$0x1] =	stream.indirect_vreg.gather [hbm4b:s2+s3], $0x80, v3, vm0, $0xb8;
	[tilespmem:$0x19000] =	vst v63  }
0x58: {  	s26 =	simm.s32 $0xB800  }
0x59: {  	[tilespmem:s26], [sflag:$0x1] =	stream.indirect_vreg.gather [hbm4b:s5+s3], $0x80, v3, vm0, $0xb8;
	[tilespmem:$0x19000] =	vst v63  }
0x5a: {  	s26 =	simm.s32 $0xC000  }
0x5b: {  	[tilespmem:s26], [sflag:$0x1] =	stream.indirect_vreg.gather [hbm4b:s6+s3], $0x80, v3, vm0, $0xb8;
	[tilespmem:$0x19000] =	vst v63  }
0x5c: {  	s26 =	simm.s32 $0xC800  }
0x5d: {  	[tilespmem:s26], [sflag:$0x1] =	stream.indirect_vreg.gather [hbm4b:s8+s3], $0x80, v3, vm0, $0xb8;
	[tilespmem:$0x19000] =	vst v63  }
0x5e: {  	v3 =	vld [tilespmem:$0x90];
	_ =	sdelay $0x4  }
0x5f: {  	v61 =	vshll.u32 v3, $0x3  }
0x60: {  	v3 =	vand.u32 $0x7, v3;
	v4 =	vand.u32 $0xFFFFFFC0, v61  }
0x61: {  	v3 =	vor.u32 v3, v4  }
0x62: {  	v4 =	vperm.xlane v3, v0;
	_ =	sdelay $0x1  }
0x63: {  	v4 =	vadd.s32 v1, v4;
	_ =	sdelay $0x3  }
0x64: {  	s26 =	simm.s32 $0xD000  }
0x65: {  	[tilespmem:s26], [sflag:$0x1] =	stream.indirect_vreg.gather [hbm4b:s2+s3], $0x80, v4, vm0, $0xb8;
	[tilespmem:$0x19000] =	vst v63  }
0x66: {  	v3 =	vperm.xlane v3, v2;
	s26 =	simm.s32 $0xD800  }
0x67: {  	[tilespmem:s26], [sflag:$0x1] =	stream.indirect_vreg.gather [hbm4b:s5+s3], $0x80, v4, vm0, $0xb8;
	[tilespmem:$0x19000] =	vst v63  }
0x68: {  	v3 =	vadd.s32 v1, v3;
	s26 =	simm.s32 $0xE000  }
0x69: {  	[tilespmem:s26], [sflag:$0x1] =	stream.indirect_vreg.gather [hbm4b:s6+s3], $0x80, v4, vm0, $0xb8;
	[tilespmem:$0x19000] =	vst v63  }
0x6a: {  	s26 =	simm.s32 $0xE800  }
0x6b: {  	[tilespmem:s26], [sflag:$0x1] =	stream.indirect_vreg.gather [hbm4b:s8+s3], $0x80, v4, vm0, $0xb8;
	[tilespmem:$0x19000] =	vst v63  }
0x6c: {  	_ = 	snop  }
0x6d: {  	[tilespmem:s18], [sflag:$0x1] =	stream.indirect_vreg.gather [hbm4b:s2+s3], $0x80, v3, vm0, $0xb8;
	[tilespmem:$0x19000] =	vst v63  }
0x6e: {  	_ = 	snop  }
0x6f: {  	[tilespmem:s19], [sflag:$0x1] =	stream.indirect_vreg.gather [hbm4b:s5+s3], $0x80, v3, vm0, $0xb8;
	[tilespmem:$0x19000] =	vst v63  }
0x70: {  	_ = 	snop  }
0x71: {  	[tilespmem:s20], [sflag:$0x1] =	stream.indirect_vreg.gather [hbm4b:s6+s3], $0x80, v3, vm0, $0xb8;
	[tilespmem:$0x19000] =	vst v63  }
0x72: {  	_ = 	snop  }
0x73: {  	[tilespmem:s21], [sflag:$0x1] =	stream.indirect_vreg.gather [hbm4b:s8+s3], $0x80, v3, vm0, $0xb8;
	[tilespmem:$0x19000] =	vst v63  }
0x74: {  	_ =	swait.ge [sflag:s22], $0x8000  }
0x75: {  	[sflag:s22] =	ssyncset.done $0x0  }
0x76: {  	s26 =	rddreg [dreg:$0x6];
	[sflag:s22] =	ssyncadd.s32 $0xFFFF8000  }
0x77: {  	[hbm4b:s26+s3] =	stream.linear.scatter [tilespmem:s15], [sflag:$0x2], $0x8000, $0x38;
	[tilespmem:$0x19000] =	vst v63  }
0x78: {  	v3 =	vld [tilespmem:$0x100];
	_ =	sdelay $0x4  }
0x79: {  	v62 =	vshll.u32 v3, $0x3  }
0x7a: {  	v3 =	vand.u32 $0x7, v3;
	v4 =	vand.u32 $0xFFFFFFC0, v62  }
0x7b: {  	v3 =	vor.u32 v3, v4  }
0x7c: {  	v4 =	vperm.xlane v3, v0;
	_ =	sdelay $0x1  }
0x7d: {  	v4 =	vadd.s32 v1, v4;
	_ =	sdelay $0x4  }
0x7e: {  	[tilespmem:s23], [sflag:$0x1] =	stream.indirect_vreg.gather [hbm4b:s2+s3], $0x80, v4, vm0, $0xb8;
	[tilespmem:$0x19000] =	vst v63  }
0x7f: {  	v3 =	vperm.xlane v3, v2  }
0x80: {  	[tilespmem:s14], [sflag:$0x1] =	stream.indirect_vreg.gather [hbm4b:s5+s3], $0x80, v4, vm0, $0xb8;
	[tilespmem:$0x19000] =	vst v63  }
0x81: {  	v3 =	vadd.s32 v1, v3  }
0x82: {  	[tilespmem:s28], [sflag:$0x1] =	stream.indirect_vreg.gather [hbm4b:s6+s3], $0x80, v4, vm0, $0xb8;
	[tilespmem:$0x19000] =	vst v63  }
0x83: {  	_ = 	snop  }
0x84: {  	[tilespmem:s16], [sflag:$0x1] =	stream.indirect_vreg.gather [hbm4b:s8+s3], $0x80, v4, vm0, $0xb8;
	[tilespmem:$0x19000] =	vst v63  }
0x85: {  	_ = 	snop  }
0x86: {  	[tilespmem:s29], [sflag:$0x1] =	stream.indirect_vreg.gather [hbm4b:s2+s3], $0x80, v3, vm0, $0xb8;
	[tilespmem:$0x19000] =	vst v63  }
0x87: {  	_ = 	snop  }
0x88: {  	[tilespmem:s17], [sflag:$0x1] =	stream.indirect_vreg.gather [hbm4b:s5+s3], $0x80, v3, vm0, $0xb8;
	[tilespmem:$0x19000] =	vst v63  }
0x89: {  	_ = 	snop  }
0x8a: {  	[tilespmem:s30], [sflag:$0x1] =	stream.indirect_vreg.gather [hbm4b:s6+s3], $0x80, v3, vm0, $0xb8;
	[tilespmem:$0x19000] =	vst v63  }
0x8b: {  	_ = 	snop  }
0x8c: {  	[tilespmem:s31], [sflag:$0x1] =	stream.indirect_vreg.gather [hbm4b:s8+s3], $0x80, v3, vm0, $0xb8;
	[tilespmem:$0x19000] =	vst v63  }
0x8d: {  	v3 =	vld [tilespmem:$0x110];
	_ =	sdelay $0x4  }
0x8e: {  	v63 =	vshll.u32 v3, $0x3  }
0x8f: {  	v3 =	vand.u32 $0x7, v3;
	v4 =	vand.u32 $0xFFFFFFC0, v63  }
0x90: {  	v3 =	vor.u32 v3, v4  }
0x91: {  	v4 =	vperm.xlane v3, v0;
	_ =	sdelay $0x1  }
0x92: {  	v4 =	vadd.s32 v1, v4;
	_ =	sdelay $0x4  }
0x93: {  	[tilespmem:s0], [sflag:$0x1] =	stream.indirect_vreg.gather [hbm4b:s2+s3], $0x80, v4, vm0, $0xb8;
	[tilespmem:$0x19000] =	vst v63  }
0x94: {  	v3 =	vperm.xlane v3, v2  }
0x95: {  	[tilespmem:s4], [sflag:$0x1] =	stream.indirect_vreg.gather [hbm4b:s5+s3], $0x80, v4, vm0, $0xb8;
	[tilespmem:$0x19000] =	vst v63  }
0x96: {  	v3 =	vadd.s32 v1, v3  }
0x97: {  	[tilespmem:s9], [sflag:$0x1] =	stream.indirect_vreg.gather [hbm4b:s6+s3], $0x80, v4, vm0, $0xb8;
	[tilespmem:$0x19000] =	vst v63  }
0x98: {  	_ = 	snop  }
0x99: {  	[tilespmem:s10], [sflag:$0x1] =	stream.indirect_vreg.gather [hbm4b:s8+s3], $0x80, v4, vm0, $0xb8;
	[tilespmem:$0x19000] =	vst v63  }
0x9a: {  	_ = 	snop  }
0x9b: {  	[tilespmem:s11], [sflag:$0x1] =	stream.indirect_vreg.gather [hbm4b:s2+s3], $0x80, v3, vm0, $0xb8;
	[tilespmem:$0x19000] =	vst v63  }
0x9c: {  	_ = 	snop  }
0x9d: {  	[tilespmem:s24], [sflag:$0x1] =	stream.indirect_vreg.gather [hbm4b:s5+s3], $0x80, v3, vm0, $0xb8;
	[tilespmem:$0x19000] =	vst v63  }
0x9e: {  	s7 =	simm.s32 $0x0  }
0x9f: {  	[tilespmem:s12], [sflag:$0x1] =	stream.indirect_vreg.gather [hbm4b:s6+s3], $0x80, v3, vm0, $0xb8;
	[tilespmem:$0x19000] =	vst v63  }
0xa0: {  	s26 =	simm.s32 $0x290;
	s16 =	simm.s32 $0x12800;
	s17 =	simm.s32 $0x13800  }
0xa1: {  	[tilespmem:s25], [sflag:$0x1] =	stream.indirect_vreg.gather [hbm4b:s8+s3], $0x80, v3, vm0, $0xb8;
	[tilespmem:$0x19000] =	vst v63  }
.LBB2_2:
0xa2: {  	_ =	swait.ge [sflag:s22], $0x8000  }
0xa3: {  	s14 =	rddreg [dreg:$0x4]  }
0xa4: {  	[sflag:s22] =	ssyncset.done $0x0;
	s14 =	sadd.s32 s7, s14  }
0xa5: {  	[sflag:s22] =	ssyncadd.s32 $0xFFFF8000;
	s28 =	sadd.s32 $0x1000, s14  }
0xa6: {  	[hbm4b:s28+s3] =	stream.linear.scatter [tilespmem:s1], [sflag:$0x2], $0x8000, $0x38;
	[tilespmem:$0x19000] =	vst v63  }
0xa7: {  	_ =	swait.ge [sflag:s13], $0x8000  }
0xa8: {  	[sflag:s13] =	ssyncset.done $0x0  }
0xa9: {  	[sflag:s13] =	ssyncadd.s32 $0xFFFF8000  }
0xaa: {  	v3 =	vld [tilespmem:s26+$0xFFFFFEF0];
	_ =	sdelay $0x4  }
0xab: {  	v4 =	vshll.u32 v3, $0x3  }
0xac: {  	v3 =	vand.u32 $0x7, v3;
	v4 =	vand.u32 $0xFFFFFFC0, v4  }
0xad: {  	v3 =	vor.u32 v3, v4  }
0xae: {  	v4 =	vperm.xlane v3, v0;
	_ =	sdelay $0x1  }
0xaf: {  	v4 =	vadd.s32 v1, v4;
	_ =	sdelay $0x4  }
0xb0: {  	[tilespmem:s15], [sflag:$0x1] =	stream.indirect_vreg.gather [hbm4b:s2+s3], $0x80, v4, vm0, $0xb8;
	[tilespmem:$0x19000] =	vst v63  }
0xb1: {  	s28 =	simm.s32 $0x1800;
	v3 =	vperm.xlane v3, v2  }
0xb2: {  	[tilespmem:s28], [sflag:$0x1] =	stream.indirect_vreg.gather [hbm4b:s5+s3], $0x80, v4, vm0, $0xb8;
	[tilespmem:$0x19000] =	vst v63  }
0xb3: {  	v3 =	vadd.s32 v1, v3;
	s28 =	simm.s32 $0x2000  }
0xb4: {  	[tilespmem:s28], [sflag:$0x1] =	stream.indirect_vreg.gather [hbm4b:s6+s3], $0x80, v4, vm0, $0xb8;
	[tilespmem:$0x19000] =	vst v63  }
0xb5: {  	s28 =	simm.s32 $0x2800  }
0xb6: {  	[tilespmem:s28], [sflag:$0x1] =	stream.indirect_vreg.gather [hbm4b:s8+s3], $0x80, v4, vm0, $0xb8;
	[tilespmem:$0x19000] =	vst v63  }
0xb7: {  	s28 =	simm.s32 $0x3000  }
0xb8: {  	[tilespmem:s28], [sflag:$0x1] =	stream.indirect_vreg.gather [hbm4b:s2+s3], $0x80, v3, vm0, $0xb8;
	[tilespmem:$0x19000] =	vst v63  }
0xb9: {  	s28 =	simm.s32 $0x3800  }
0xba: {  	[tilespmem:s28], [sflag:$0x1] =	stream.indirect_vreg.gather [hbm4b:s5+s3], $0x80, v3, vm0, $0xb8;
	[tilespmem:$0x19000] =	vst v63  }
0xbb: {  	s28 =	simm.s32 $0x4000  }
0xbc: {  	[tilespmem:s28], [sflag:$0x1] =	stream.indirect_vreg.gather [hbm4b:s6+s3], $0x80, v3, vm0, $0xb8;
	[tilespmem:$0x19000] =	vst v63  }
0xbd: {  	s28 =	simm.s32 $0x4800  }
0xbe: {  	[tilespmem:s28], [sflag:$0x1] =	stream.indirect_vreg.gather [hbm4b:s8+s3], $0x80, v3, vm0, $0xb8;
	[tilespmem:$0x19000] =	vst v63  }
0xbf: {  	v3 =	vld [tilespmem:s26+$0xFFFFFF00];
	_ =	sdelay $0x4  }
0xc0: {  	v59 =	vshll.u32 v3, $0x3  }
0xc1: {  	v3 =	vand.u32 $0x7, v3;
	v4 =	vand.u32 $0xFFFFFFC0, v59  }
0xc2: {  	v3 =	vor.u32 v3, v4  }
0xc3: {  	v4 =	vperm.xlane v3, v0;
	_ =	sdelay $0x1  }
0xc4: {  	v4 =	vadd.s32 v1, v4;
	_ =	sdelay $0x3  }
0xc5: {  	s28 =	simm.s32 $0x5000  }
0xc6: {  	[tilespmem:s28], [sflag:$0x1] =	stream.indirect_vreg.gather [hbm4b:s2+s3], $0x80, v4, vm0, $0xb8;
	[tilespmem:$0x19000] =	vst v63  }
0xc7: {  	v3 =	vperm.xlane v3, v2;
	s28 =	simm.s32 $0x5800  }
0xc8: {  	[tilespmem:s28], [sflag:$0x1] =	stream.indirect_vreg.gather [hbm4b:s5+s3], $0x80, v4, vm0, $0xb8;
	[tilespmem:$0x19000] =	vst v63  }
0xc9: {  	v3 =	vadd.s32 v1, v3;
	s28 =	simm.s32 $0x6000  }
0xca: {  	[tilespmem:s28], [sflag:$0x1] =	stream.indirect_vreg.gather [hbm4b:s6+s3], $0x80, v4, vm0, $0xb8;
	[tilespmem:$0x19000] =	vst v63  }
0xcb: {  	s28 =	simm.s32 $0x6800  }
0xcc: {  	[tilespmem:s28], [sflag:$0x1] =	stream.indirect_vreg.gather [hbm4b:s8+s3], $0x80, v4, vm0, $0xb8;
	[tilespmem:$0x19000] =	vst v63  }
0xcd: {  	s28 =	simm.s32 $0x7000  }
0xce: {  	[tilespmem:s28], [sflag:$0x1] =	stream.indirect_vreg.gather [hbm4b:s2+s3], $0x80, v3, vm0, $0xb8;
	[tilespmem:$0x19000] =	vst v63  }
0xcf: {  	s28 =	simm.s32 $0x7800  }
0xd0: {  	[tilespmem:s28], [sflag:$0x1] =	stream.indirect_vreg.gather [hbm4b:s5+s3], $0x80, v3, vm0, $0xb8;
	[tilespmem:$0x19000] =	vst v63  }
0xd1: {  	s28 =	simm.s32 $0x8000  }
0xd2: {  	[tilespmem:s28], [sflag:$0x1] =	stream.indirect_vreg.gather [hbm4b:s6+s3], $0x80, v3, vm0, $0xb8;
	[tilespmem:$0x19000] =	vst v63  }
0xd3: {  	s28 =	simm.s32 $0x8800  }
0xd4: {  	[tilespmem:s28], [sflag:$0x1] =	stream.indirect_vreg.gather [hbm4b:s8+s3], $0x80, v3, vm0, $0xb8;
	[tilespmem:$0x19000] =	vst v63  }
0xd5: {  	_ =	swait.ge [sflag:s22], $0x8000  }
0xd6: {  	[sflag:s22] =	ssyncset.done $0x0  }
0xd7: {  	s28 =	sadd.s32 $0x2000, s14;
	[sflag:s22] =	ssyncadd.s32 $0xFFFF8000  }
0xd8: {  	[hbm4b:s28+s3] =	stream.linear.scatter [tilespmem:s23], [sflag:$0x2], $0x8000, $0x38;
	[tilespmem:$0x19000] =	vst v63  }
0xd9: {  	_ =	swait.ge [sflag:s13], $0x8000  }
0xda: {  	[sflag:s13] =	ssyncset.done $0x0  }
0xdb: {  	[sflag:s13] =	ssyncadd.s32 $0xFFFF8000  }
0xdc: {  	v3 =	vld [tilespmem:s26+$0xFFFFFF70];
	_ =	sdelay $0x4  }
0xdd: {  	v60 =	vshll.u32 v3, $0x3  }
0xde: {  	v3 =	vand.u32 $0x7, v3;
	v4 =	vand.u32 $0xFFFFFFC0, v60  }
0xdf: {  	v3 =	vor.u32 v3, v4  }
0xe0: {  	v4 =	vperm.xlane v3, v0;
	_ =	sdelay $0x1  }
0xe1: {  	v4 =	vadd.s32 v1, v4;
	_ =	sdelay $0x4  }
0xe2: {  	[tilespmem:s1], [sflag:$0x1] =	stream.indirect_vreg.gather [hbm4b:s2+s3], $0x80, v4, vm0, $0xb8;
	[tilespmem:$0x19000] =	vst v63  }
0xe3: {  	s28 =	simm.s32 $0x9800;
	v3 =	vperm.xlane v3, v2  }
0xe4: {  	[tilespmem:s28], [sflag:$0x1] =	stream.indirect_vreg.gather [hbm4b:s5+s3], $0x80, v4, vm0, $0xb8;
	[tilespmem:$0x19000] =	vst v63  }
0xe5: {  	v3 =	vadd.s32 v1, v3;
	s28 =	simm.s32 $0xA000  }
0xe6: {  	[tilespmem:s28], [sflag:$0x1] =	stream.indirect_vreg.gather [hbm4b:s6+s3], $0x80, v4, vm0, $0xb8;
	[tilespmem:$0x19000] =	vst v63  }
0xe7: {  	s28 =	simm.s32 $0xA800  }
0xe8: {  	[tilespmem:s28], [sflag:$0x1] =	stream.indirect_vreg.gather [hbm4b:s8+s3], $0x80, v4, vm0, $0xb8;
	[tilespmem:$0x19000] =	vst v63  }
0xe9: {  	s28 =	simm.s32 $0xB000  }
0xea: {  	[tilespmem:s28], [sflag:$0x1] =	stream.indirect_vreg.gather [hbm4b:s2+s3], $0x80, v3, vm0, $0xb8;
	[tilespmem:$0x19000] =	vst v63  }
0xeb: {  	s28 =	simm.s32 $0xB800  }
0xec: {  	[tilespmem:s28], [sflag:$0x1] =	stream.indirect_vreg.gather [hbm4b:s5+s3], $0x80, v3, vm0, $0xb8;
	[tilespmem:$0x19000] =	vst v63  }
0xed: {  	s28 =	simm.s32 $0xC000  }
0xee: {  	[tilespmem:s28], [sflag:$0x1] =	stream.indirect_vreg.gather [hbm4b:s6+s3], $0x80, v3, vm0, $0xb8;
	[tilespmem:$0x19000] =	vst v63  }
0xef: {  	s28 =	simm.s32 $0xC800  }
0xf0: {  	[tilespmem:s28], [sflag:$0x1] =	stream.indirect_vreg.gather [hbm4b:s8+s3], $0x80, v3, vm0, $0xb8;
	[tilespmem:$0x19000] =	vst v63  }
0xf1: {  	v3 =	vld [tilespmem:s26+$0xFFFFFF80];
	_ =	sdelay $0x4  }
0xf2: {  	v61 =	vshll.u32 v3, $0x3  }
0xf3: {  	v3 =	vand.u32 $0x7, v3;
	v4 =	vand.u32 $0xFFFFFFC0, v61  }
0xf4: {  	v3 =	vor.u32 v3, v4  }
0xf5: {  	v4 =	vperm.xlane v3, v0;
	_ =	sdelay $0x1  }
0xf6: {  	v4 =	vadd.s32 v1, v4;
	_ =	sdelay $0x3  }
0xf7: {  	s28 =	simm.s32 $0xD000  }
0xf8: {  	[tilespmem:s28], [sflag:$0x1] =	stream.indirect_vreg.gather [hbm4b:s2+s3], $0x80, v4, vm0, $0xb8;
	[tilespmem:$0x19000] =	vst v63  }
0xf9: {  	v3 =	vperm.xlane v3, v2;
	s28 =	simm.s32 $0xD800  }
0xfa: {  	[tilespmem:s28], [sflag:$0x1] =	stream.indirect_vreg.gather [hbm4b:s5+s3], $0x80, v4, vm0, $0xb8;
	[tilespmem:$0x19000] =	vst v63  }
0xfb: {  	s29 =	simm.s32 $0xE000;
	v3 =	vadd.s32 v1, v3  }
0xfc: {  	[tilespmem:s29], [sflag:$0x1] =	stream.indirect_vreg.gather [hbm4b:s6+s3], $0x80, v4, vm0, $0xb8;
	[tilespmem:$0x19000] =	vst v63  }
0xfd: {  	s30 =	simm.s32 $0xE800  }
0xfe: {  	[tilespmem:s30], [sflag:$0x1] =	stream.indirect_vreg.gather [hbm4b:s8+s3], $0x80, v4, vm0, $0xb8;
	[tilespmem:$0x19000] =	vst v63  }
0xff: {  	_ = 	snop  }
0x100: {  	[tilespmem:s18], [sflag:$0x1] =	stream.indirect_vreg.gather [hbm4b:s2+s3], $0x80, v3, vm0, $0xb8;
	[tilespmem:$0x19000] =	vst v63  }
0x101: {  	_ = 	snop  }
0x102: {  	[tilespmem:s19], [sflag:$0x1] =	stream.indirect_vreg.gather [hbm4b:s5+s3], $0x80, v3, vm0, $0xb8;
	[tilespmem:$0x19000] =	vst v63  }
0x103: {  	_ = 	snop  }
0x104: {  	[tilespmem:s20], [sflag:$0x1] =	stream.indirect_vreg.gather [hbm4b:s6+s3], $0x80, v3, vm0, $0xb8;
	[tilespmem:$0x19000] =	vst v63  }
0x105: {  	_ = 	snop  }
0x106: {  	[tilespmem:s21], [sflag:$0x1] =	stream.indirect_vreg.gather [hbm4b:s8+s3], $0x80, v3, vm0, $0xb8;
	[tilespmem:$0x19000] =	vst v63  }
0x107: {  	_ =	swait.ge [sflag:s22], $0x8000  }
0x108: {  	[sflag:s22] =	ssyncset.done $0x0  }
0x109: {  	s14 =	sadd.s32 $0x3000, s14;
	[sflag:s22] =	ssyncadd.s32 $0xFFFF8000  }
0x10a: {  	[hbm4b:s14+s3] =	stream.linear.scatter [tilespmem:s15], [sflag:$0x2], $0x8000, $0x38;
	[tilespmem:$0x19000] =	vst v63  }
0x10b: {  	_ =	swait.ge [sflag:s13], $0x8000  }
0x10c: {  	[sflag:s13] =	ssyncset.done $0x0  }
0x10d: {  	[sflag:s13] =	ssyncadd.s32 $0xFFFF8000  }
0x10e: {  	v3 =	vld [tilespmem:s26+$0xFFFFFFF0];
	_ =	sdelay $0x4  }
0x10f: {  	v62 =	vshll.u32 v3, $0x3  }
0x110: {  	v3 =	vand.u32 $0x7, v3;
	v4 =	vand.u32 $0xFFFFFFC0, v62  }
0x111: {  	v3 =	vor.u32 v3, v4  }
0x112: {  	v4 =	vperm.xlane v3, v0;
	_ =	sdelay $0x1  }
0x113: {  	v4 =	vadd.s32 v1, v4;
	_ =	sdelay $0x4  }
0x114: {  	[tilespmem:s23], [sflag:$0x1] =	stream.indirect_vreg.gather [hbm4b:s2+s3], $0x80, v4, vm0, $0xb8;
	[tilespmem:$0x19000] =	vst v63  }
0x115: {  	s14 =	simm.s32 $0x11800;
	v3 =	vperm.xlane v3, v2  }
0x116: {  	[tilespmem:s14], [sflag:$0x1] =	stream.indirect_vreg.gather [hbm4b:s5+s3], $0x80, v4, vm0, $0xb8;
	[tilespmem:$0x19000] =	vst v63  }
0x117: {  	s28 =	simm.s32 $0x12000;
	v3 =	vadd.s32 v1, v3  }
0x118: {  	[tilespmem:s28], [sflag:$0x1] =	stream.indirect_vreg.gather [hbm4b:s6+s3], $0x80, v4, vm0, $0xb8;
	[tilespmem:$0x19000] =	vst v63  }
0x119: {  	_ = 	snop  }
0x11a: {  	[tilespmem:s16], [sflag:$0x1] =	stream.indirect_vreg.gather [hbm4b:s8+s3], $0x80, v4, vm0, $0xb8;
	[tilespmem:$0x19000] =	vst v63  }
0x11b: {  	s29 =	simm.s32 $0x13000  }
0x11c: {  	[tilespmem:s29], [sflag:$0x1] =	stream.indirect_vreg.gather [hbm4b:s2+s3], $0x80, v3, vm0, $0xb8;
	[tilespmem:$0x19000] =	vst v63  }
0x11d: {  	_ = 	snop  }
0x11e: {  	[tilespmem:s17], [sflag:$0x1] =	stream.indirect_vreg.gather [hbm4b:s5+s3], $0x80, v3, vm0, $0xb8;
	[tilespmem:$0x19000] =	vst v63  }
0x11f: {  	s30 =	simm.s32 $0x14000  }
0x120: {  	[tilespmem:s30], [sflag:$0x1] =	stream.indirect_vreg.gather [hbm4b:s6+s3], $0x80, v3, vm0, $0xb8;
	[tilespmem:$0x19000] =	vst v63  }
0x121: {  	_ = 	snop  }
0x122: {  	[tilespmem:s31], [sflag:$0x1] =	stream.indirect_vreg.gather [hbm4b:s8+s3], $0x80, v3, vm0, $0xb8;
	[tilespmem:$0x19000] =	vst v63  }
0x123: {  	v3 =	vld [tilespmem:s26+$0x0];
	_ =	sdelay $0x4  }
0x124: {  	v63 =	vshll.u32 v3, $0x3  }
0x125: {  	v3 =	vand.u32 $0x7, v3;
	v4 =	vand.u32 $0xFFFFFFC0, v63  }
0x126: {  	v3 =	vor.u32 v3, v4  }
0x127: {  	v4 =	vperm.xlane v3, v0;
	_ =	sdelay $0x1  }
0x128: {  	v4 =	vadd.s32 v1, v4;
	_ =	sdelay $0x4  }
0x129: {  	[tilespmem:s0], [sflag:$0x1] =	stream.indirect_vreg.gather [hbm4b:s2+s3], $0x80, v4, vm0, $0xb8;
	[tilespmem:$0x19000] =	vst v63  }
0x12a: {  	v3 =	vperm.xlane v3, v2  }
0x12b: {  	[tilespmem:s4], [sflag:$0x1] =	stream.indirect_vreg.gather [hbm4b:s5+s3], $0x80, v4, vm0, $0xb8;
	[tilespmem:$0x19000] =	vst v63  }
0x12c: {  	v3 =	vadd.s32 v1, v3  }
0x12d: {  	[tilespmem:s9], [sflag:$0x1] =	stream.indirect_vreg.gather [hbm4b:s6+s3], $0x80, v4, vm0, $0xb8;
	[tilespmem:$0x19000] =	vst v63  }
0x12e: {  	_ = 	snop  }
0x12f: {  	[tilespmem:s10], [sflag:$0x1] =	stream.indirect_vreg.gather [hbm4b:s8+s3], $0x80, v4, vm0, $0xb8;
	[tilespmem:$0x19000] =	vst v63  }
0x130: {  	_ = 	snop  }
0x131: {  	[tilespmem:s11], [sflag:$0x1] =	stream.indirect_vreg.gather [hbm4b:s2+s3], $0x80, v3, vm0, $0xb8;
	[tilespmem:$0x19000] =	vst v63  }
0x132: {  	p0 =	sne.s32 s7, $0x18000  }
0x133: {  	[tilespmem:s24], [sflag:$0x1] =	stream.indirect_vreg.gather [hbm4b:s5+s3], $0x80, v3, vm0, $0xb8;
	[tilespmem:$0x19000] =	vst v63  }
.Ltmp0:
0x134: {  	_ = 	snop;
	(pc) =	sbr.rel @p0 .LBB2_2-.Ltmp0, $4  }
0x135: {  	_ = 	snop  }
0x136: {  	[tilespmem:s12], [sflag:$0x1] =	stream.indirect_vreg.gather [hbm4b:s6+s3], $0x80, v3, vm0, $0xb8;
	[tilespmem:$0x19000] =	vst v63  }
0x137: {  	s7 =	sadd.s32 $0x3000, s7;
	s26 =	sadd.s32 $0x180, s26  }
0x138: {  	[tilespmem:s25], [sflag:$0x1] =	stream.indirect_vreg.gather [hbm4b:s8+s3], $0x80, v3, vm0, $0xb8;
	[tilespmem:$0x19000] =	vst v63  }
0x139: {  	_ =	swait.ge [sflag:s22], $0x8000  }
0x13a: {  	[sflag:s22] =	ssyncset.done $0x0  }
0x13b: {  	s7 =	rddreg [dreg:$0x7];
	[sflag:s22] =	ssyncadd.s32 $0xFFFF8000  }
0x13c: {  	[hbm4b:s7+s3] =	stream.linear.scatter [tilespmem:s1], [sflag:$0x2], $0x8000, $0x38;
	[tilespmem:$0x19000] =	vst v63  }
0x13d: {  	_ =	swait.ge [sflag:s13], $0x8000  }
0x13e: {  	[sflag:s13] =	ssyncset.done $0x0  }
0x13f: {  	[sflag:s13] =	ssyncadd.s32 $0xFFFF8000  }
0x140: {  	v3 =	vld [tilespmem:$0xF00];
	_ =	sdelay $0x4  }
0x141: {  	v4 =	vshll.u32 v3, $0x3  }
0x142: {  	v3 =	vand.u32 $0x7, v3;
	v4 =	vand.u32 $0xFFFFFFC0, v4  }
0x143: {  	v3 =	vor.u32 v3, v4  }
0x144: {  	v4 =	vperm.xlane v3, v0;
	_ =	sdelay $0x1  }
0x145: {  	v4 =	vadd.s32 v1, v4;
	_ =	sdelay $0x4  }
0x146: {  	[tilespmem:s15], [sflag:$0x1] =	stream.indirect_vreg.gather [hbm4b:s2+s3], $0x80, v4, vm0, $0xb8;
	[tilespmem:$0x19000] =	vst v63  }
0x147: {  	s26 =	simm.s32 $0x1800;
	v3 =	vperm.xlane v3, v2  }
0x148: {  	[tilespmem:s26], [sflag:$0x1] =	stream.indirect_vreg.gather [hbm4b:s5+s3], $0x80, v4, vm0, $0xb8;
	[tilespmem:$0x19000] =	vst v63  }
0x149: {  	s16 =	simm.s32 $0x2000;
	v3 =	vadd.s32 v1, v3  }
0x14a: {  	[tilespmem:s16], [sflag:$0x1] =	stream.indirect_vreg.gather [hbm4b:s6+s3], $0x80, v4, vm0, $0xb8;
	[tilespmem:$0x19000] =	vst v63  }
0x14b: {  	s17 =	simm.s32 $0x2800  }
0x14c: {  	[tilespmem:s17], [sflag:$0x1] =	stream.indirect_vreg.gather [hbm4b:s8+s3], $0x80, v4, vm0, $0xb8;
	[tilespmem:$0x19000] =	vst v63  }
0x14d: {  	s26 =	simm.s32 $0x3000  }
0x14e: {  	[tilespmem:s26], [sflag:$0x1] =	stream.indirect_vreg.gather [hbm4b:s2+s3], $0x80, v3, vm0, $0xb8;
	[tilespmem:$0x19000] =	vst v63  }
0x14f: {  	s16 =	simm.s32 $0x3800  }
0x150: {  	[tilespmem:s16], [sflag:$0x1] =	stream.indirect_vreg.gather [hbm4b:s5+s3], $0x80, v3, vm0, $0xb8;
	[tilespmem:$0x19000] =	vst v63  }
0x151: {  	s17 =	simm.s32 $0x4000  }
0x152: {  	[tilespmem:s17], [sflag:$0x1] =	stream.indirect_vreg.gather [hbm4b:s6+s3], $0x80, v3, vm0, $0xb8;
	[tilespmem:$0x19000] =	vst v63  }
0x153: {  	s26 =	simm.s32 $0x4800  }
0x154: {  	[tilespmem:s26], [sflag:$0x1] =	stream.indirect_vreg.gather [hbm4b:s8+s3], $0x80, v3, vm0, $0xb8;
	[tilespmem:$0x19000] =	vst v63  }
0x155: {  	v3 =	vld [tilespmem:$0xF10];
	_ =	sdelay $0x4  }
0x156: {  	v61 =	vshll.u32 v3, $0x3  }
0x157: {  	v3 =	vand.u32 $0x7, v3;
	v4 =	vand.u32 $0xFFFFFFC0, v61  }
0x158: {  	v3 =	vor.u32 v3, v4  }
0x159: {  	v4 =	vperm.xlane v3, v0;
	_ =	sdelay $0x1  }
0x15a: {  	v4 =	vadd.s32 v1, v4;
	_ =	sdelay $0x3  }
0x15b: {  	s16 =	simm.s32 $0x5000  }
0x15c: {  	[tilespmem:s16], [sflag:$0x1] =	stream.indirect_vreg.gather [hbm4b:s2+s3], $0x80, v4, vm0, $0xb8;
	[tilespmem:$0x19000] =	vst v63  }
0x15d: {  	s17 =	simm.s32 $0x5800;
	v3 =	vperm.xlane v3, v2  }
0x15e: {  	[tilespmem:s17], [sflag:$0x1] =	stream.indirect_vreg.gather [hbm4b:s5+s3], $0x80, v4, vm0, $0xb8;
	[tilespmem:$0x19000] =	vst v63  }
0x15f: {  	s26 =	simm.s32 $0x6000;
	v3 =	vadd.s32 v1, v3  }
0x160: {  	[tilespmem:s26], [sflag:$0x1] =	stream.indirect_vreg.gather [hbm4b:s6+s3], $0x80, v4, vm0, $0xb8;
	[tilespmem:$0x19000] =	vst v63  }
0x161: {  	s16 =	simm.s32 $0x6800  }
0x162: {  	[tilespmem:s16], [sflag:$0x1] =	stream.indirect_vreg.gather [hbm4b:s8+s3], $0x80, v4, vm0, $0xb8;
	[tilespmem:$0x19000] =	vst v63  }
0x163: {  	s17 =	simm.s32 $0x7000  }
0x164: {  	[tilespmem:s17], [sflag:$0x1] =	stream.indirect_vreg.gather [hbm4b:s2+s3], $0x80, v3, vm0, $0xb8;
	[tilespmem:$0x19000] =	vst v63  }
0x165: {  	s26 =	simm.s32 $0x7800  }
0x166: {  	[tilespmem:s26], [sflag:$0x1] =	stream.indirect_vreg.gather [hbm4b:s5+s3], $0x80, v3, vm0, $0xb8;
	[tilespmem:$0x19000] =	vst v63  }
0x167: {  	s16 =	simm.s32 $0x8000  }
0x168: {  	[tilespmem:s16], [sflag:$0x1] =	stream.indirect_vreg.gather [hbm4b:s6+s3], $0x80, v3, vm0, $0xb8;
	[tilespmem:$0x19000] =	vst v63  }
0x169: {  	s17 =	simm.s32 $0x8800  }
0x16a: {  	[tilespmem:s17], [sflag:$0x1] =	stream.indirect_vreg.gather [hbm4b:s8+s3], $0x80, v3, vm0, $0xb8;
	[tilespmem:$0x19000] =	vst v63  }
0x16b: {  	_ =	swait.ge [sflag:s22], $0x8000  }
0x16c: {  	[sflag:s22] =	ssyncset.done $0x0  }
0x16d: {  	s26 =	rddreg [dreg:$0x8];
	[sflag:s22] =	ssyncadd.s32 $0xFFFF8000  }
0x16e: {  	[hbm4b:s26+s3] =	stream.linear.scatter [tilespmem:s23], [sflag:$0x2], $0x8000, $0x38;
	[tilespmem:$0x19000] =	vst v63  }
0x16f: {  	_ =	swait.ge [sflag:s13], $0x8000  }
0x170: {  	[sflag:s13] =	ssyncset.done $0x0  }
0x171: {  	[sflag:s13] =	ssyncadd.s32 $0xFFFF8000  }
0x172: {  	v3 =	vld [tilespmem:$0xF80];
	_ =	sdelay $0x4  }
0x173: {  	v62 =	vshll.u32 v3, $0x3  }
0x174: {  	v3 =	vand.u32 $0x7, v3;
	v4 =	vand.u32 $0xFFFFFFC0, v62  }
0x175: {  	v3 =	vor.u32 v3, v4  }
0x176: {  	v4 =	vperm.xlane v3, v0;
	_ =	sdelay $0x1  }
0x177: {  	v4 =	vadd.s32 v1, v4;
	_ =	sdelay $0x4  }
0x178: {  	[tilespmem:s1], [sflag:$0x1] =	stream.indirect_vreg.gather [hbm4b:s2+s3], $0x80, v4, vm0, $0xb8;
	[tilespmem:$0x19000] =	vst v63  }
0x179: {  	s16 =	simm.s32 $0x9800;
	v3 =	vperm.xlane v3, v2  }
0x17a: {  	[tilespmem:s16], [sflag:$0x1] =	stream.indirect_vreg.gather [hbm4b:s5+s3], $0x80, v4, vm0, $0xb8;
	[tilespmem:$0x19000] =	vst v63  }
0x17b: {  	s17 =	simm.s32 $0xA000;
	v3 =	vadd.s32 v1, v3  }
0x17c: {  	[tilespmem:s17], [sflag:$0x1] =	stream.indirect_vreg.gather [hbm4b:s6+s3], $0x80, v4, vm0, $0xb8;
	[tilespmem:$0x19000] =	vst v63  }
0x17d: {  	s26 =	simm.s32 $0xA800  }
0x17e: {  	[tilespmem:s26], [sflag:$0x1] =	stream.indirect_vreg.gather [hbm4b:s8+s3], $0x80, v4, vm0, $0xb8;
	[tilespmem:$0x19000] =	vst v63  }
0x17f: {  	s16 =	simm.s32 $0xB000  }
0x180: {  	[tilespmem:s16], [sflag:$0x1] =	stream.indirect_vreg.gather [hbm4b:s2+s3], $0x80, v3, vm0, $0xb8;
	[tilespmem:$0x19000] =	vst v63  }
0x181: {  	s17 =	simm.s32 $0xB800  }
0x182: {  	[tilespmem:s17], [sflag:$0x1] =	stream.indirect_vreg.gather [hbm4b:s5+s3], $0x80, v3, vm0, $0xb8;
	[tilespmem:$0x19000] =	vst v63  }
0x183: {  	s26 =	simm.s32 $0xC000  }
0x184: {  	[tilespmem:s26], [sflag:$0x1] =	stream.indirect_vreg.gather [hbm4b:s6+s3], $0x80, v3, vm0, $0xb8;
	[tilespmem:$0x19000] =	vst v63  }
0x185: {  	s16 =	simm.s32 $0xC800  }
0x186: {  	[tilespmem:s16], [sflag:$0x1] =	stream.indirect_vreg.gather [hbm4b:s8+s3], $0x80, v3, vm0, $0xb8;
	[tilespmem:$0x19000] =	vst v63  }
0x187: {  	v3 =	vld [tilespmem:$0xF90];
	_ =	sdelay $0x4  }
0x188: {  	v63 =	vshll.u32 v3, $0x3  }
0x189: {  	v3 =	vand.u32 $0x7, v3;
	v4 =	vand.u32 $0xFFFFFFC0, v63  }
0x18a: {  	v3 =	vor.u32 v3, v4  }
0x18b: {  	v4 =	vperm.xlane v3, v0;
	_ =	sdelay $0x1  }
0x18c: {  	v4 =	vadd.s32 v1, v4;
	_ =	sdelay $0x3  }
0x18d: {  	s17 =	simm.s32 $0xD000  }
0x18e: {  	[tilespmem:s17], [sflag:$0x1] =	stream.indirect_vreg.gather [hbm4b:s2+s3], $0x80, v4, vm0, $0xb8;
	[tilespmem:$0x19000] =	vst v63  }
0x18f: {  	s26 =	simm.s32 $0xD800;
	v3 =	vperm.xlane v3, v2  }
0x190: {  	[tilespmem:s26], [sflag:$0x1] =	stream.indirect_vreg.gather [hbm4b:s5+s3], $0x80, v4, vm0, $0xb8;
	[tilespmem:$0x19000] =	vst v63  }
0x191: {  	s16 =	simm.s32 $0xE000;
	v3 =	vadd.s32 v1, v3  }
0x192: {  	[tilespmem:s16], [sflag:$0x1] =	stream.indirect_vreg.gather [hbm4b:s6+s3], $0x80, v4, vm0, $0xb8;
	[tilespmem:$0x19000] =	vst v63  }
0x193: {  	s17 =	simm.s32 $0xE800  }
0x194: {  	[tilespmem:s17], [sflag:$0x1] =	stream.indirect_vreg.gather [hbm4b:s8+s3], $0x80, v4, vm0, $0xb8;
	[tilespmem:$0x19000] =	vst v63  }
0x195: {  	_ = 	snop  }
0x196: {  	[tilespmem:s18], [sflag:$0x1] =	stream.indirect_vreg.gather [hbm4b:s2+s3], $0x80, v3, vm0, $0xb8;
	[tilespmem:$0x19000] =	vst v63  }
0x197: {  	_ = 	snop  }
0x198: {  	[tilespmem:s19], [sflag:$0x1] =	stream.indirect_vreg.gather [hbm4b:s5+s3], $0x80, v3, vm0, $0xb8;
	[tilespmem:$0x19000] =	vst v63  }
0x199: {  	_ = 	snop  }
0x19a: {  	[tilespmem:s20], [sflag:$0x1] =	stream.indirect_vreg.gather [hbm4b:s6+s3], $0x80, v3, vm0, $0xb8;
	[tilespmem:$0x19000] =	vst v63  }
0x19b: {  	_ = 	snop  }
0x19c: {  	[tilespmem:s21], [sflag:$0x1] =	stream.indirect_vreg.gather [hbm4b:s8+s3], $0x80, v3, vm0, $0xb8;
	[tilespmem:$0x19000] =	vst v63  }
0x19d: {  	_ =	swait.ge [sflag:s22], $0x8000  }
0x19e: {  	[sflag:s22] =	ssyncset.done $0x0  }
0x19f: {  	s26 =	rddreg [dreg:$0x9];
	[sflag:s22] =	ssyncadd.s32 $0xFFFF8000  }
0x1a0: {  	[hbm4b:s26+s3] =	stream.linear.scatter [tilespmem:s15], [sflag:$0x2], $0x8000, $0x38;
	[tilespmem:$0x19000] =	vst v63  }
0x1a1: {  	_ =	swait.ge [sflag:s13], $0x8000  }
0x1a2: {  	[sflag:s13] =	ssyncset.done $0x0  }
0x1a3: {  	[sflag:s13] =	ssyncadd.s32 $0xFFFF8000  }
0x1a4: {  	_ =	swait.ge [sflag:s22], $0x8000  }
0x1a5: {  	[sflag:s22] =	ssyncset.done $0x0  }
0x1a6: {  	s16 =	rddreg [dreg:$0xa];
	[sflag:s22] =	ssyncadd.s32 $0xFFFF8000  }
0x1a7: {  	[hbm4b:s16+s3] =	stream.linear.scatter [tilespmem:s1], [sflag:$0x2], $0x8000, $0x38;
	[tilespmem:$0x19000] =	vst v63  }
0x1a8: {  	_ =	swait.ge [sflag:s13], $0x8000  }
0x1a9: {  	[sflag:s13] =	ssyncset.done $0x0  }
0x1aa: {  	[sflag:s13] =	ssyncadd.s32 $0xFFFF8000  }
0x1ab: {  	_ =	swait.ge [sflag:s13], $0x8000  }
0x1ac: {  	s26 =	rddreg [dreg:$0xc]  }
0x1ad: {  	s17 =	rddreg [dreg:$0xb];
	s26 =	sadd.s32 $0x1, s26  }
0x1ae: {  	p0 =	sne.s32 s26, s17  }
.Ltmp1:
0x1af: {  	_ = 	snop;
	(pc) =	sbr.rel @p0 .LBB2_1-.Ltmp1, $3  }
0x1b0: {  	_ =	sdelay $0x1  }
0x1b1: {  	[sflag:s13] =	ssyncset.done $0x0  }
0x1b2: {  	s16 =	simm.s32 $0x12800;
	[sflag:s13] =	ssyncadd.s32 $0xFFFF8000;
	s17 =	simm.s32 $0x13800  }
0x1b3: {  	_ =	sfence.sel $0x180000  }
0x1b4: {  	[bflag:$0x0] =	sbarrier.arrive $0xFFFF  }
0x1b5: {  	_ =	strace $0x90000047  }
0x1b6: {  	s0 =	stileid.u32;
	[bflag:$0x2] =	sbarrier.arrive $0xFFFF  }
0x1b7: {  	p0 =	sne.s32 s0, $0x0;
	s0 =	rddreg [dreg:$0x3]  }
0x1b8: {  	s0 =	sadd.s32 @!p0 $0x100000, s0  }
0x1b9: {  	[sflag:s0] =	ssyncadd.tile.s32 @!p0 $0x1;
	_ =	shalt  }
.Lfunc_end2:
_tile_overlayer_lowered:
.L_overlay_start_2:
0x1ba: {  	(tag) =	ssettag $0x2  }
0x1bb: {  	s0 =	rddreg [dreg:$0x0];
	s2 =	stileid.u32  }
0x1bc: {  	s1 =	rddreg [dreg:$0x1];
	p0 =	sne.s32 s2, $0x0  }
0x1bd: {  	s3 =	rddreg [dreg:$0x2];
	[bflag:$0x3] =	sbarrier.arrive $0xFFFF;
	s2 =	simm.s32 @!p0 $0x1C03  }
0x1be: {  	[timem:s3], [sflag:s2] =	dma.local @!p0 [hbm:s0], s1  }
0x1bf: {  	s0 =	simm.s32 @!p0 $0x3  }
0x1c0: {  	_ =	swait.ge @!p0 [sflag:s0], s1  }
0x1c1: {  	s1 =	ssub.s32 @!p0 $0x0, s1;
	[sflag:s0] =	ssyncset.done @!p0 $0x0  }
0x1c2: {  	[sflag:s0] =	ssyncadd.s32 @!p0 s1  }
0x1c3: {  	[bflag:$0x3] =	sbarrier.arrive $0xFFFF  }
0x1c4: {  	_ =	shalt  }

</sc_bundles>
